<compile_context>
chip_gen: v7x
topology: tpu7x:2x2x1
jax: 0.10.2.dev20260603
libtpu: 0.0.44.dev20260713+nightly
codegen_flags: <defaults>
</compile_context>

<pallas_src>
import numpy as np
import jax
import jax.numpy as jnp
from jax import lax
from jax.experimental import pallas as pl
from jax.experimental.pallas import tpu as pltpu
from jax.experimental.pallas import tpu_sc as plsc

_NMS_THR = 0.7
_STRIDE = 16
_N = 22500
_ROWS = 176
_COLS = 128
_NPAD = _ROWS * _COLS
_TOPN = 2000
_POST = 300
_OUTROWS = 304
_NW = 32
_CHUNK = _NPAD // _NW
_CROWS = 24
_CPAD = _CROWS * _COLS
_OPAD = 25600


def _anchors_np(H, W):
    base = 16.0
    ratios = np.array([0.5, 1.0, 2.0])
    scales = np.array([8.0, 16.0, 32.0])
    ws = np.round(np.sqrt(base * base / ratios))
    hs = np.round(ws * ratios)
    ws = (ws[:, None] * scales[None, :]).reshape(-1)
    hs = (hs[:, None] * scales[None, :]).reshape(-1)
    cx = (base - 1.0) / 2.0
    cy = (base - 1.0) / 2.0
    base_anchors = np.stack(
        [cx - 0.5 * (ws - 1), cy - 0.5 * (hs - 1),
         cx + 0.5 * (ws - 1), cy + 0.5 * (hs - 1)], axis=1)
    shift_x = np.arange(W) * _STRIDE
    shift_y = np.arange(H) * _STRIDE
    sx, sy = np.meshgrid(shift_x, shift_y)
    shifts = np.stack([sx.ravel(), sy.ravel(), sx.ravel(), sy.ravel()], axis=1)
    anchors = (shifts[:, None, :] + base_anchors[None, :, :]).reshape(-1, 4)
    return anchors.astype(np.float32)


def _excl_prefix(maskf):
    ut = (lax.broadcasted_iota(jnp.int32, (_COLS, _COLS), 0)
          <= lax.broadcasted_iota(jnp.int32, (_COLS, _COLS), 1)
          ).astype(jnp.float32)
    rowcum = jnp.dot(maskf, ut, preferred_element_type=jnp.float32)
    rowtot = rowcum[:, _COLS - 1:_COLS]
    sl = (lax.broadcasted_iota(jnp.int32, (_ROWS, _ROWS), 1)
          < lax.broadcasted_iota(jnp.int32, (_ROWS, _ROWS), 0)
          ).astype(jnp.float32)
    rowoff = jnp.dot(sl, rowtot, preferred_element_type=jnp.float32)
    return rowoff + rowcum - maskf


def _select_body(info_s, dx, dy, dw, dh, sc, aw, ah, acx, acy,
                 x1o, y1o, x2o, y2o, uko, dsto):
    img_h = info_s[0]
    img_w = info_s[1]
    msize = info_s[4] * jnp.maximum(info_s[2], info_s[3])

    awv = aw[...]
    ahv = ah[...]
    cx = dx[...] * awv + acx[...]
    cy = dy[...] * ahv + acy[...]
    pw = jnp.exp(dw[...]) * awv
    ph = jnp.exp(dh[...]) * ahv
    x1 = jnp.clip(cx - 0.5 * pw, 0.0, img_w - 1.0)
    y1 = jnp.clip(cy - 0.5 * ph, 0.0, img_h - 1.0)
    x2 = jnp.clip(cx + 0.5 * pw, 0.0, img_w - 1.0)
    y2 = jnp.clip(cy + 0.5 * ph, 0.0, img_h - 1.0)
    bw = x2 - x1 + 1.0
    bh = y2 - y1 + 1.0
    valid = (bw > msize) & (bh > msize)
    score = jnp.where(valid, sc[...], -1e9)

    rio = lax.broadcasted_iota(jnp.int32, (_ROWS, _COLS), 0)
    lio = lax.broadcasted_iota(jnp.int32, (_ROWS, _COLS), 1)
    flat = rio * _COLS + lio
    real = flat < _N

    bits = lax.bitcast_convert_type(score, jnp.int32)
    ukey = jnp.where(score >= 0.0, bits + 2, 1)
    ukey = jnp.where(real, ukey, 0)

    x1o[...] = x1
    y1o[...] = y1
    x2o[...] = x2
    y2o[...] = y2
    uko[...] = ukey

    def bs_body(_, lohi):
        lo, hi = lohi
        mid = (lo + hi + 1) // 2
        cnt = jnp.sum((ukey >= mid).astype(jnp.int32))
        big = cnt >= _TOPN
        return (jnp.where(big, mid, lo), jnp.where(big, hi, mid - 1))

    lo, _ = lax.fori_loop(0, 30, bs_body,
                          (jnp.int32(0), jnp.int32((1 << 30) - 1)))
    thr_key = lo
    n_better = jnp.sum((ukey >= thr_key + 1).astype(jnp.int32))
    eq_needed = (_TOPN - n_better).astype(jnp.float32)

    eq = ukey == thr_key
    pref_eq = _excl_prefix(eq.astype(jnp.float32))
    keep = (ukey > thr_key) | (eq & (pref_eq < eq_needed))

    pos = _excl_prefix(keep.astype(jnp.float32)).astype(jnp.int32)
    dump = 2048 + flat
    dsto[...] = jnp.where(keep, pos, dump)


def _sc_scatter_body(dst_h, x1_h, y1_h, x2_h, y2_h, uk_h,
                     ox1_h, oy1_h, ox2_h, oy2_h, ouk_h,
                     dst_v, d0, d1, d2, d3, d4, sem):
    cid = lax.axis_index("c")
    sid = lax.axis_index("s")
    wid = sid * 2 + cid
    base = pl.multiple_of(wid * _CHUNK, 8)
    pltpu.sync_copy(dst_h.at[pl.ds(base, _CHUNK)], dst_v)
    pltpu.sync_copy(x1_h.at[pl.ds(base, _CHUNK)], d0)
    pltpu.sync_copy(y1_h.at[pl.ds(base, _CHUNK)], d1)
    pltpu.sync_copy(x2_h.at[pl.ds(base, _CHUNK)], d2)
    pltpu.sync_copy(y2_h.at[pl.ds(base, _CHUNK)], d3)
    pltpu.sync_copy(uk_h.at[pl.ds(base, _CHUNK)], d4)
    c0 = pltpu.async_copy(d0, ox1_h.at[dst_v], sem)
    c1 = pltpu.async_copy(d1, oy1_h.at[dst_v], sem)
    c2 = pltpu.async_copy(d2, ox2_h.at[dst_v], sem)
    c3 = pltpu.async_copy(d3, oy2_h.at[dst_v], sem)
    c4 = pltpu.async_copy(d4, ouk_h.at[dst_v], sem)
    c0.wait()
    c1.wait()
    c2.wait()
    c3.wait()
    c4.wait()


def _nms_body(cap_s, x1g, y1g, x2g, y2g, ukg, out_ref, eligr):
    rio = lax.broadcasted_iota(jnp.int32, (_CROWS, _COLS), 0)
    lio = lax.broadcasted_iota(jnp.int32, (_CROWS, _COLS), 1)
    flat = rio * _COLS + lio
    live = flat < _TOPN
    eligr[...] = live.astype(jnp.int32)

    out_ref[...] = jnp.zeros((_OUTROWS, 8), jnp.float32)

    def cond(c):
        t, alive = c
        return alive & (t < cap_s[0])

    def body(c):
        t, _ = c
        el = eligr[...]
        ukv = ukg[...]
        ukm = jnp.where(el > 0, ukv, -1)
        m1 = jnp.max(ukm)
        alive = m1 >= 1

        @pl.when(alive)
        def _():
            r2 = lax.broadcasted_iota(jnp.int32, (_CROWS, _COLS), 0)
            l2 = lax.broadcasted_iota(jnp.int32, (_CROWS, _COLS), 1)
            fl = r2 * _COLS + l2
            pidx = jnp.min(jnp.where(ukm == m1, fl, jnp.int32(1 << 30)))
            oh = fl == pidx
            zx1 = x1g[...]
            zy1 = y1g[...]
            zx2 = x2g[...]
            zy2 = y2g[...]
            za = (zx2 - zx1 + 1.0) * (zy2 - zy1 + 1.0)
            scv = jnp.where(ukv == 1, -1e9,
                            lax.bitcast_convert_type(ukv - 2, jnp.float32))
            px1 = jnp.sum(jnp.where(oh, zx1, 0.0))
            py1 = jnp.sum(jnp.where(oh, zy1, 0.0))
            px2 = jnp.sum(jnp.where(oh, zx2, 0.0))
            py2 = jnp.sum(jnp.where(oh, zy2, 0.0))
            pa = jnp.sum(jnp.where(oh, za, 0.0))
            psc = jnp.sum(jnp.where(oh, scv, 0.0))
            xx1 = jnp.maximum(zx1, px1)
            yy1 = jnp.maximum(zy1, py1)
            xx2 = jnp.minimum(zx2, px2)
            yy2 = jnp.minimum(zy2, py2)
            w = jnp.maximum(xx2 - xx1 + 1.0, 0.0)
            h = jnp.maximum(yy2 - yy1 + 1.0, 0.0)
            inter = w * h
            iou = inter / (pa + za - inter)
            eligr[...] = jnp.where(iou > _NMS_THR, 0, el)
            li8 = lax.broadcasted_iota(jnp.int32, (1, 8), 1)
            row = jnp.where(
                li8 == 0, px1,
                jnp.where(li8 == 1, py1,
                          jnp.where(li8 == 2, px2,
                                    jnp.where(li8 == 3, py2,
                                              jnp.where(li8 == 4, psc, 0.0)))))
            out_ref[pl.ds(t, 1), :] = row

        return (t + 1, alive)

    lax.while_loop(cond, body, (jnp.int32(0), jnp.bool_(True)))


def kernel(cls_prob, loc_offset, im_info, min_size, topn, post_topn):
    B, C4, H, W = loc_offset.shape
    info = jnp.concatenate(
        [im_info.astype(jnp.float32),
         jnp.reshape(jnp.asarray(min_size, jnp.float32), (1,))])
    cap = jnp.reshape(
        jnp.minimum(jnp.asarray(post_topn, jnp.int32), _POST), (1,))

    anc = _anchors_np(H, W)
    aw = anc[:, 2] - anc[:, 0] + 1.0
    ah = anc[:, 3] - anc[:, 1] + 1.0
    acx = anc[:, 0] + 0.5 * aw
    acy = anc[:, 1] + 0.5 * ah

    def padgrid_np(v):
        return jnp.asarray(
            np.pad(v, (0, _NPAD - _N)).reshape(_ROWS, _COLS))

    def padgrid(v):
        return jnp.reshape(jnp.pad(v, (0, _NPAD - _N)), (_ROWS, _COLS))

    loc = jnp.transpose(loc_offset, (0, 2, 3, 1)).reshape(-1, 4)
    score = jnp.transpose(cls_prob, (0, 2, 3, 1)).reshape(-1)

    gshape = jax.ShapeDtypeStruct((_ROWS, _COLS), jnp.float32)
    gshape_i = jax.ShapeDtypeStruct((_ROWS, _COLS), jnp.int32)
    x1g, y1g, x2g, y2g, ukg, dstg = pl.pallas_call(
        _select_body,
        in_specs=[pl.BlockSpec(memory_space=pltpu.SMEM)] +
                 [pl.BlockSpec(memory_space=pltpu.VMEM)] * 9,
        out_specs=[pl.BlockSpec(memory_space=pltpu.VMEM)] * 6,
        out_shape=[gshape, gshape, gshape, gshape, gshape_i, gshape_i],
    )(info,
      padgrid(loc[:, 0]), padgrid(loc[:, 1]),
      padgrid(loc[:, 2]), padgrid(loc[:, 3]),
      padgrid(score),
      padgrid_np(aw), padgrid_np(ah), padgrid_np(acx), padgrid_np(acy))

    mesh = plsc.VectorSubcoreMesh(core_axis_name="c", subcore_axis_name="s")
    cvec = jax.ShapeDtypeStruct((_OPAD,), jnp.float32)
    cvec_i = jax.ShapeDtypeStruct((_OPAD,), jnp.int32)
    sc_scatter = pl.kernel(
        _sc_scatter_body, mesh=mesh,
        out_type=[cvec, cvec, cvec, cvec, cvec_i],
        scratch_types=[pltpu.VMEM((_CHUNK,), jnp.int32)] +
                      [pltpu.VMEM((_CHUNK,), jnp.float32)] * 4 +
                      [pltpu.VMEM((_CHUNK,), jnp.int32),
                       pltpu.SemaphoreType.DMA],
    )
    fl = lambda a: jnp.reshape(a, (-1,))
    cx1, cy1, cx2, cy2, cuk = sc_scatter(
        fl(dstg), fl(x1g), fl(y1g), fl(x2g), fl(y2g), fl(ukg))

    gr = lambda a: jnp.reshape(a[:_CPAD], (_CROWS, _COLS))
    res = pl.pallas_call(
        _nms_body,
        in_specs=[pl.BlockSpec(memory_space=pltpu.SMEM)] +
                 [pl.BlockSpec(memory_space=pltpu.VMEM)] * 5,
        out_specs=pl.BlockSpec(memory_space=pltpu.VMEM),
        out_shape=jax.ShapeDtypeStruct((_OUTROWS, 8), jnp.float32),
        scratch_shapes=[pltpu.VMEM((_CROWS, _COLS), jnp.int32)],
    )(cap, gr(cx1), gr(cy1), gr(cx2), gr(cy2), gr(cuk))

    return res[:_POST, :4], res[:_POST, 4]

# --- scband reference (transcript-rebuilt; emitter-appended) ---
"""Pipeline reference for scband-proposal-layer-49340584296963 (READ-ONLY COPY).

The authoritative reference and input builder live on the scoring server;
editing this copy changes nothing except your own understanding.
"""

import jax, jax.numpy as jnp
import numpy as np

NMS_THR = 0.7
STRIDE = 16


def _make_anchors(H, W):
    base = 16.0
    ratios = np.array([0.5, 1.0, 2.0])
    scales = np.array([8.0, 16.0, 32.0])
    ws = np.round(np.sqrt(base * base / ratios))
    hs = np.round(ws * ratios)
    ws = (ws[:, None] * scales[None, :]).reshape(-1)
    hs = (hs[:, None] * scales[None, :]).reshape(-1)
    cx = (base - 1.0) / 2.0
    cy = (base - 1.0) / 2.0
    base_anchors = np.stack([cx - 0.5 * (ws - 1), cy - 0.5 * (hs - 1),
                             cx + 0.5 * (ws - 1), cy + 0.5 * (hs - 1)], axis=1)  # [9,4]
    shift_x = np.arange(W) * STRIDE
    shift_y = np.arange(H) * STRIDE
    sx, sy = np.meshgrid(shift_x, shift_y)
    shifts = np.stack([sx.ravel(), sy.ravel(), sx.ravel(), sy.ravel()], axis=1)  # [H*W,4]
    anchors = (shifts[:, None, :] + base_anchors[None, :, :]).reshape(-1, 4)
    return jnp.asarray(anchors, dtype=jnp.float32)


def _nms_mask(boxes, thr):
    n = boxes.shape[0]
    x1, y1, x2, y2 = boxes[:, 0], boxes[:, 1], boxes[:, 2], boxes[:, 3]
    areas = (x2 - x1 + 1.0) * (y2 - y1 + 1.0)
    ar = jnp.arange(n)

    def body(i, sup):
        cur = sup[i]
        xx1 = jnp.maximum(x1, x1[i])
        yy1 = jnp.maximum(y1, y1[i])
        xx2 = jnp.minimum(x2, x2[i])
        yy2 = jnp.minimum(y2, y2[i])
        w = jnp.maximum(xx2 - xx1 + 1.0, 0.0)
        h = jnp.maximum(yy2 - yy1 + 1.0, 0.0)
        inter = w * h
        iou = inter / (areas[i] + areas - inter)
        return sup | ((iou > thr) & (ar > i) & jnp.logical_not(cur))

    return jax.lax.fori_loop(0, n, body, jnp.zeros((n,), dtype=bool))


def setup_inputs(seed: int = 0) -> dict:
    key = jax.random.key(seed)
    k1, k2 = jax.random.split(key)
    cls_prob = jax.random.uniform(k1, (1, 9, 50, 50), dtype=jnp.float32)
    loc_offset = jax.random.normal(k2, (1, 36, 50, 50), dtype=jnp.float32) * 0.2
    im_info = jnp.array([800.0, 800.0, 1.0, 1.0], dtype=jnp.float32)
    return {"cls_prob": cls_prob, "loc_offset": loc_offset, "im_info": im_info,
            "min_size": 16, "topn": 2000, "post_topn": 300}


def reference(cls_prob, loc_offset, im_info, min_size, topn, post_topn):
    B, C4, H, W = loc_offset.shape
    TOPN = 2000
    POST_TOPN = 300
    anchors = _make_anchors(H, W)
    loc = jnp.transpose(loc_offset, (0, 2, 3, 1)).reshape(-1, 4)
    aw = anchors[:, 2] - anchors[:, 0] + 1.0
    ah = anchors[:, 3] - anchors[:, 1] + 1.0
    acx = anchors[:, 0] + 0.5 * aw
    acy = anchors[:, 1] + 0.5 * ah
    dx, dy, dw, dh = loc[:, 0], loc[:, 1], loc[:, 2], loc[:, 3]
    cx = dx * aw + acx
    cy = dy * ah + acy
    pw = jnp.exp(dw) * aw
    ph = jnp.exp(dh) * ah
    boxes = jnp.stack([cx - 0.5 * pw, cy - 0.5 * ph, cx + 0.5 * pw, cy + 0.5 * ph], axis=1)
    img_h, img_w = im_info[0], im_info[1]
    x1 = jnp.clip(boxes[:, 0], 0.0, img_w - 1.0)
    y1 = jnp.clip(boxes[:, 1], 0.0, img_h - 1.0)
    x2 = jnp.clip(boxes[:, 2], 0.0, img_w - 1.0)
    y2 = jnp.clip(boxes[:, 3], 0.0, img_h - 1.0)
    boxes = jnp.stack([x1, y1, x2, y2], axis=1)
    score = jnp.transpose(cls_prob, (0, 2, 3, 1)).reshape(-1)
    msize = min_size * jnp.maximum(im_info[2], im_info[3])
    bw = boxes[:, 2] - boxes[:, 0] + 1.0
    bh = boxes[:, 3] - boxes[:, 1] + 1.0
    valid = (bw > msize) & (bh > msize)
    score = jnp.where(valid, score, -1e9)
    _, top_idx = jax.lax.top_k(jax.lax.stop_gradient(score), TOPN)
    boxes_s = jnp.take(boxes, top_idx, axis=0)
    score_s = jnp.take(score, top_idx, axis=0)
    sup = _nms_mask(jax.lax.stop_gradient(boxes_s), NMS_THR)
    rank = jnp.where(sup, topn, jnp.arange(TOPN))
    order = jnp.sort(rank)[:POST_TOPN]
    keep_valid = (order < topn) & (jnp.arange(POST_TOPN) < post_topn)
    gidx = jnp.minimum(order, topn - 1)
    out_boxes = jnp.take(boxes_s, gidx, axis=0) * keep_valid[:, None].astype(boxes.dtype)
    out_scores = jnp.take(score_s, gidx, axis=0) * keep_valid.astype(score.dtype)
    return out_boxes, out_scores

if __name__ == "__main__":
    import jax
    _d = setup_inputs()
    print(jax.jit(kernel)(*tuple(_d.values())))

</pallas_src>

<mosaic_0001>
#map = affine_map<(d0, d1) -> (0)>
module attributes {stable_mosaic.version = 14 : i64} {
  func.func @_sc_scatter_body(%arg0: i32, %arg1: i32, %arg2: memref<22528xi32, #tpu.memory_space<hbm>>, %arg3: memref<22528xf32, #tpu.memory_space<hbm>>, %arg4: memref<22528xf32, #tpu.memory_space<hbm>>, %arg5: memref<22528xf32, #tpu.memory_space<hbm>>, %arg6: memref<22528xf32, #tpu.memory_space<hbm>>, %arg7: memref<22528xi32, #tpu.memory_space<hbm>>, %arg8: memref<25600xf32, #tpu.memory_space<hbm>>, %arg9: memref<25600xf32, #tpu.memory_space<hbm>>, %arg10: memref<25600xf32, #tpu.memory_space<hbm>>, %arg11: memref<25600xf32, #tpu.memory_space<hbm>>, %arg12: memref<25600xi32, #tpu.memory_space<hbm>>, %arg13: memref<704xi32, #tpu.memory_space<vmem>>, %arg14: memref<704xf32, #tpu.memory_space<vmem>>, %arg15: memref<704xf32, #tpu.memory_space<vmem>>, %arg16: memref<704xf32, #tpu.memory_space<vmem>>, %arg17: memref<704xf32, #tpu.memory_space<vmem>>, %arg18: memref<704xi32, #tpu.memory_space<vmem>>, %arg19: memref<!tpu.dma_semaphore, #tpu.memory_space<semaphore_mem>>) attributes {dimension_semantics = [#tpu.dimension_semantics<core_parallel>, #tpu.dimension_semantics<subcore_parallel>], iteration_bounds = array<i64: 2, 16>, scalar_prefetch = 0 : i64, scratch_operands = 7 : i64, tpu.core_type = #tpu.core_type<sc_vector_subcore>, window_params = [{transform_indices = #map}, {transform_indices = #map}, {transform_indices = #map}, {transform_indices = #map}, {transform_indices = #map}, {transform_indices = #map}, {transform_indices = #map}, {transform_indices = #map}, {transform_indices = #map}, {transform_indices = #map}, {transform_indices = #map}]} {
    %mul3A = arith.constant 2 : i32
    %mul3A_0 = arith.muli %arg1, %mul3A : i32
    %add3A = arith.addi %mul3A_0, %arg0 : i32
    %mul3A_1 = arith.constant 704 : i32
    %mul3A_2 = arith.muli %add3A, %mul3A_1 : i32
    %multiple_of3A = tpu.assume_multiple %mul3A_2, 8 : i32
    "tpu.region"() ({
      %run_scoped3A = tpu.sem_alloc : memref<!tpu.dma_semaphore, #tpu.memory_space<semaphore_mem>>
      %dma_start3A_21 = tpu.memref_slice %arg2[%multiple_of3A] : memref<22528xi32, #tpu.memory_space<hbm>> -> memref<704xi32, #tpu.memory_space<hbm>>
      %dma_start3A_22 = tpu.memref_slice %arg2[%multiple_of3A] : memref<22528xi32, #tpu.memory_space<hbm>> -> memref<704xi32, #tpu.memory_space<hbm>>
      tpu.enqueue_dma source(%dma_start3A_22 : memref<704xi32, #tpu.memory_space<hbm>>) target(%arg13 : memref<704xi32, #tpu.memory_space<vmem>>) target_semaphore(%run_scoped3A : memref<!tpu.dma_semaphore, #tpu.memory_space<semaphore_mem>>)
      %dma_wait3A_23 = tpu.memref_slice %arg2[%multiple_of3A] : memref<22528xi32, #tpu.memory_space<hbm>> -> memref<704xi32, #tpu.memory_space<hbm>>
      %dma_wait3A_24 = tpu.memref_slice %arg2[%multiple_of3A] : memref<22528xi32, #tpu.memory_space<hbm>> -> memref<704xi32, #tpu.memory_space<hbm>>
      tpu.wait_dma2 semaphore(%run_scoped3A : memref<!tpu.dma_semaphore, #tpu.memory_space<semaphore_mem>>) src(%dma_wait3A_24 : memref<704xi32, #tpu.memory_space<hbm>>) dst(%arg13 : memref<704xi32, #tpu.memory_space<vmem>>)
      tpu.yield
    }) : () -> ()
    "tpu.region"() ({
      %run_scoped3A = tpu.sem_alloc : memref<!tpu.dma_semaphore, #tpu.memory_space<semaphore_mem>>
      %dma_start3A_21 = tpu.memref_slice %arg3[%multiple_of3A] : memref<22528xf32, #tpu.memory_space<hbm>> -> memref<704xf32, #tpu.memory_space<hbm>>
      %dma_start3A_22 = tpu.memref_slice %arg3[%multiple_of3A] : memref<22528xf32, #tpu.memory_space<hbm>> -> memref<704xf32, #tpu.memory_space<hbm>>
      tpu.enqueue_dma source(%dma_start3A_22 : memref<704xf32, #tpu.memory_space<hbm>>) target(%arg14 : memref<704xf32, #tpu.memory_space<vmem>>) target_semaphore(%run_scoped3A : memref<!tpu.dma_semaphore, #tpu.memory_space<semaphore_mem>>)
      %dma_wait3A_23 = tpu.memref_slice %arg3[%multiple_of3A] : memref<22528xf32, #tpu.memory_space<hbm>> -> memref<704xf32, #tpu.memory_space<hbm>>
      %dma_wait3A_24 = tpu.memref_slice %arg3[%multiple_of3A] : memref<22528xf32, #tpu.memory_space<hbm>> -> memref<704xf32, #tpu.memory_space<hbm>>
      tpu.wait_dma2 semaphore(%run_scoped3A : memref<!tpu.dma_semaphore, #tpu.memory_space<semaphore_mem>>) src(%dma_wait3A_24 : memref<704xf32, #tpu.memory_space<hbm>>) dst(%arg14 : memref<704xf32, #tpu.memory_space<vmem>>)
      tpu.yield
    }) : () -> ()
    "tpu.region"() ({
      %run_scoped3A = tpu.sem_alloc : memref<!tpu.dma_semaphore, #tpu.memory_space<semaphore_mem>>
      %dma_start3A_21 = tpu.memref_slice %arg4[%multiple_of3A] : memref<22528xf32, #tpu.memory_space<hbm>> -> memref<704xf32, #tpu.memory_space<hbm>>
      %dma_start3A_22 = tpu.memref_slice %arg4[%multiple_of3A] : memref<22528xf32, #tpu.memory_space<hbm>> -> memref<704xf32, #tpu.memory_space<hbm>>
      tpu.enqueue_dma source(%dma_start3A_22 : memref<704xf32, #tpu.memory_space<hbm>>) target(%arg15 : memref<704xf32, #tpu.memory_space<vmem>>) target_semaphore(%run_scoped3A : memref<!tpu.dma_semaphore, #tpu.memory_space<semaphore_mem>>)
      %dma_wait3A_23 = tpu.memref_slice %arg4[%multiple_of3A] : memref<22528xf32, #tpu.memory_space<hbm>> -> memref<704xf32, #tpu.memory_space<hbm>>
      %dma_wait3A_24 = tpu.memref_slice %arg4[%multiple_of3A] : memref<22528xf32, #tpu.memory_space<hbm>> -> memref<704xf32, #tpu.memory_space<hbm>>
      tpu.wait_dma2 semaphore(%run_scoped3A : memref<!tpu.dma_semaphore, #tpu.memory_space<semaphore_mem>>) src(%dma_wait3A_24 : memref<704xf32, #tpu.memory_space<hbm>>) dst(%arg15 : memref<704xf32, #tpu.memory_space<vmem>>)
      tpu.yield
    }) : () -> ()
    "tpu.region"() ({
      %run_scoped3A = tpu.sem_alloc : memref<!tpu.dma_semaphore, #tpu.memory_space<semaphore_mem>>
      %dma_start3A_21 = tpu.memref_slice %arg5[%multiple_of3A] : memref<22528xf32, #tpu.memory_space<hbm>> -> memref<704xf32, #tpu.memory_space<hbm>>
      %dma_start3A_22 = tpu.memref_slice %arg5[%multiple_of3A] : memref<22528xf32, #tpu.memory_space<hbm>> -> memref<704xf32, #tpu.memory_space<hbm>>
      tpu.enqueue_dma source(%dma_start3A_22 : memref<704xf32, #tpu.memory_space<hbm>>) target(%arg16 : memref<704xf32, #tpu.memory_space<vmem>>) target_semaphore(%run_scoped3A : memref<!tpu.dma_semaphore, #tpu.memory_space<semaphore_mem>>)
      %dma_wait3A_23 = tpu.memref_slice %arg5[%multiple_of3A] : memref<22528xf32, #tpu.memory_space<hbm>> -> memref<704xf32, #tpu.memory_space<hbm>>
      %dma_wait3A_24 = tpu.memref_slice %arg5[%multiple_of3A] : memref<22528xf32, #tpu.memory_space<hbm>> -> memref<704xf32, #tpu.memory_space<hbm>>
      tpu.wait_dma2 semaphore(%run_scoped3A : memref<!tpu.dma_semaphore, #tpu.memory_space<semaphore_mem>>) src(%dma_wait3A_24 : memref<704xf32, #tpu.memory_space<hbm>>) dst(%arg16 : memref<704xf32, #tpu.memory_space<vmem>>)
      tpu.yield
    }) : () -> ()
    "tpu.region"() ({
      %run_scoped3A = tpu.sem_alloc : memref<!tpu.dma_semaphore, #tpu.memory_space<semaphore_mem>>
      %dma_start3A_21 = tpu.memref_slice %arg6[%multiple_of3A] : memref<22528xf32, #tpu.memory_space<hbm>> -> memref<704xf32, #tpu.memory_space<hbm>>
      %dma_start3A_22 = tpu.memref_slice %arg6[%multiple_of3A] : memref<22528xf32, #tpu.memory_space<hbm>> -> memref<704xf32, #tpu.memory_space<hbm>>
      tpu.enqueue_dma source(%dma_start3A_22 : memref<704xf32, #tpu.memory_space<hbm>>) target(%arg17 : memref<704xf32, #tpu.memory_space<vmem>>) target_semaphore(%run_scoped3A : memref<!tpu.dma_semaphore, #tpu.memory_space<semaphore_mem>>)
      %dma_wait3A_23 = tpu.memref_slice %arg6[%multiple_of3A] : memref<22528xf32, #tpu.memory_space<hbm>> -> memref<704xf32, #tpu.memory_space<hbm>>
      %dma_wait3A_24 = tpu.memref_slice %arg6[%multiple_of3A] : memref<22528xf32, #tpu.memory_space<hbm>> -> memref<704xf32, #tpu.memory_space<hbm>>
      tpu.wait_dma2 semaphore(%run_scoped3A : memref<!tpu.dma_semaphore, #tpu.memory_space<semaphore_mem>>) src(%dma_wait3A_24 : memref<704xf32, #tpu.memory_space<hbm>>) dst(%arg17 : memref<704xf32, #tpu.memory_space<vmem>>)
      tpu.yield
    }) : () -> ()
    "tpu.region"() ({
      %run_scoped3A = tpu.sem_alloc : memref<!tpu.dma_semaphore, #tpu.memory_space<semaphore_mem>>
      %dma_start3A_21 = tpu.memref_slice %arg7[%multiple_of3A] : memref<22528xi32, #tpu.memory_space<hbm>> -> memref<704xi32, #tpu.memory_space<hbm>>
      %dma_start3A_22 = tpu.memref_slice %arg7[%multiple_of3A] : memref<22528xi32, #tpu.memory_space<hbm>> -> memref<704xi32, #tpu.memory_space<hbm>>
      tpu.enqueue_dma source(%dma_start3A_22 : memref<704xi32, #tpu.memory_space<hbm>>) target(%arg18 : memref<704xi32, #tpu.memory_space<vmem>>) target_semaphore(%run_scoped3A : memref<!tpu.dma_semaphore, #tpu.memory_space<semaphore_mem>>)
      %dma_wait3A_23 = tpu.memref_slice %arg7[%multiple_of3A] : memref<22528xi32, #tpu.memory_space<hbm>> -> memref<704xi32, #tpu.memory_space<hbm>>
      %dma_wait3A_24 = tpu.memref_slice %arg7[%multiple_of3A] : memref<22528xi32, #tpu.memory_space<hbm>> -> memref<704xi32, #tpu.memory_space<hbm>>
      tpu.wait_dma2 semaphore(%run_scoped3A : memref<!tpu.dma_semaphore, #tpu.memory_space<semaphore_mem>>) src(%dma_wait3A_24 : memref<704xi32, #tpu.memory_space<hbm>>) dst(%arg18 : memref<704xi32, #tpu.memory_space<vmem>>)
      tpu.yield
    }) : () -> ()
    %dma_start3A = arith.constant 0 : i32
    %dma_start3A_3 = tpu.memref_slice %arg8[%dma_start3A] : memref<25600xf32, #tpu.memory_space<hbm>> -> memref<25600xf32, #tpu.memory_space<hbm>>
    tpu.enqueue_indirect_dma source(%arg14 : memref<704xf32, #tpu.memory_space<vmem>>) target(%dma_start3A_3 : memref<25600xf32, #tpu.memory_space<hbm>>) offsets(%arg13 : memref<704xi32, #tpu.memory_space<vmem>>) semaphore(%arg19 : memref<!tpu.dma_semaphore, #tpu.memory_space<semaphore_mem>>)
    %dma_start3A_4 = arith.constant 0 : i32
    %dma_start3A_5 = tpu.memref_slice %arg9[%dma_start3A_4] : memref<25600xf32, #tpu.memory_space<hbm>> -> memref<25600xf32, #tpu.memory_space<hbm>>
    tpu.enqueue_indirect_dma source(%arg15 : memref<704xf32, #tpu.memory_space<vmem>>) target(%dma_start3A_5 : memref<25600xf32, #tpu.memory_space<hbm>>) offsets(%arg13 : memref<704xi32, #tpu.memory_space<vmem>>) semaphore(%arg19 : memref<!tpu.dma_semaphore, #tpu.memory_space<semaphore_mem>>)
    %dma_start3A_6 = arith.constant 0 : i32
    %dma_start3A_7 = tpu.memref_slice %arg10[%dma_start3A_6] : memref<25600xf32, #tpu.memory_space<hbm>> -> memref<25600xf32, #tpu.memory_space<hbm>>
    tpu.enqueue_indirect_dma source(%arg16 : memref<704xf32, #tpu.memory_space<vmem>>) target(%dma_start3A_7 : memref<25600xf32, #tpu.memory_space<hbm>>) offsets(%arg13 : memref<704xi32, #tpu.memory_space<vmem>>) semaphore(%arg19 : memref<!tpu.dma_semaphore, #tpu.memory_space<semaphore_mem>>)
    %dma_start3A_8 = arith.constant 0 : i32
    %dma_start3A_9 = tpu.memref_slice %arg11[%dma_start3A_8] : memref<25600xf32, #tpu.memory_space<hbm>> -> memref<25600xf32, #tpu.memory_space<hbm>>
    tpu.enqueue_indirect_dma source(%arg17 : memref<704xf32, #tpu.memory_space<vmem>>) target(%dma_start3A_9 : memref<25600xf32, #tpu.memory_space<hbm>>) offsets(%arg13 : memref<704xi32, #tpu.memory_space<vmem>>) semaphore(%arg19 : memref<!tpu.dma_semaphore, #tpu.memory_space<semaphore_mem>>)
    %dma_start3A_10 = arith.constant 0 : i32
    %dma_start3A_11 = tpu.memref_slice %arg12[%dma_start3A_10] : memref<25600xi32, #tpu.memory_space<hbm>> -> memref<25600xi32, #tpu.memory_space<hbm>>
    tpu.enqueue_indirect_dma source(%arg18 : memref<704xi32, #tpu.memory_space<vmem>>) target(%dma_start3A_11 : memref<25600xi32, #tpu.memory_space<hbm>>) offsets(%arg13 : memref<704xi32, #tpu.memory_space<vmem>>) semaphore(%arg19 : memref<!tpu.dma_semaphore, #tpu.memory_space<semaphore_mem>>)
    %dma_wait3A = arith.constant 0 : i32
    %dma_wait3A_12 = tpu.memref_slice %arg8[%dma_wait3A] : memref<25600xf32, #tpu.memory_space<hbm>> -> memref<25600xf32, #tpu.memory_space<hbm>>
    tpu.wait_indirect_dma semaphore(%arg19 : memref<!tpu.dma_semaphore, #tpu.memory_space<semaphore_mem>>) src(%arg14 : memref<704xf32, #tpu.memory_space<vmem>>) dst(%dma_wait3A_12 : memref<25600xf32, #tpu.memory_space<hbm>>)
    %dma_wait3A_13 = arith.constant 0 : i32
    %dma_wait3A_14 = tpu.memref_slice %arg9[%dma_wait3A_13] : memref<25600xf32, #tpu.memory_space<hbm>> -> memref<25600xf32, #tpu.memory_space<hbm>>
    tpu.wait_indirect_dma semaphore(%arg19 : memref<!tpu.dma_semaphore, #tpu.memory_space<semaphore_mem>>) src(%arg15 : memref<704xf32, #tpu.memory_space<vmem>>) dst(%dma_wait3A_14 : memref<25600xf32, #tpu.memory_space<hbm>>)
    %dma_wait3A_15 = arith.constant 0 : i32
    %dma_wait3A_16 = tpu.memref_slice %arg10[%dma_wait3A_15] : memref<25600xf32, #tpu.memory_space<hbm>> -> memref<25600xf32, #tpu.memory_space<hbm>>
    tpu.wait_indirect_dma semaphore(%arg19 : memref<!tpu.dma_semaphore, #tpu.memory_space<semaphore_mem>>) src(%arg16 : memref<704xf32, #tpu.memory_space<vmem>>) dst(%dma_wait3A_16 : memref<25600xf32, #tpu.memory_space<hbm>>)
    %dma_wait3A_17 = arith.constant 0 : i32
    %dma_wait3A_18 = tpu.memref_slice %arg11[%dma_wait3A_17] : memref<25600xf32, #tpu.memory_space<hbm>> -> memref<25600xf32, #tpu.memory_space<hbm>>
    tpu.wait_indirect_dma semaphore(%arg19 : memref<!tpu.dma_semaphore, #tpu.memory_space<semaphore_mem>>) src(%arg17 : memref<704xf32, #tpu.memory_space<vmem>>) dst(%dma_wait3A_18 : memref<25600xf32, #tpu.memory_space<hbm>>)
    %dma_wait3A_19 = arith.constant 0 : i32
    %dma_wait3A_20 = tpu.memref_slice %arg12[%dma_wait3A_19] : memref<25600xi32, #tpu.memory_space<hbm>> -> memref<25600xi32, #tpu.memory_space<hbm>>
    tpu.wait_indirect_dma semaphore(%arg19 : memref<!tpu.dma_semaphore, #tpu.memory_space<semaphore_mem>>) src(%arg18 : memref<704xi32, #tpu.memory_space<vmem>>) dst(%dma_wait3A_20 : memref<25600xi32, #tpu.memory_space<hbm>>)
    return
  }
}

module attributes {stable_mosaic.version = 14 : i64} {
  func.func @_select_body(%arg0: memref<5xf32, #tpu.memory_space<smem>>, %arg1: memref<176x128xf32, #tpu.memory_space<vmem>>, %arg2: memref<176x128xf32, #tpu.memory_space<vmem>>, %arg3: memref<176x128xf32, #tpu.memory_space<vmem>>, %arg4: memref<176x128xf32, #tpu.memory_space<vmem>>, %arg5: memref<176x128xf32, #tpu.memory_space<vmem>>, %arg6: memref<176x128xf32, #tpu.memory_space<vmem>>, %arg7: memref<176x128xf32, #tpu.memory_space<vmem>>, %arg8: memref<176x128xf32, #tpu.memory_space<vmem>>, %arg9: memref<176x128xf32, #tpu.memory_space<vmem>>, %arg10: memref<176x128xf32, #tpu.memory_space<vmem>>, %arg11: memref<176x128xf32, #tpu.memory_space<vmem>>, %arg12: memref<176x128xf32, #tpu.memory_space<vmem>>, %arg13: memref<176x128xf32, #tpu.memory_space<vmem>>, %arg14: memref<176x128xi32, #tpu.memory_space<vmem>>, %arg15: memref<176x128xi32, #tpu.memory_space<vmem>>) attributes {dimension_semantics = [], scalar_prefetch = 0 : i64, scratch_operands = 0 : i64, tpu.core_type = #tpu.core_type<tc>} {
    %get3A = arith.constant 0 : index
    %get3A_0 = memref.load %arg0[%get3A] : memref<5xf32, #tpu.memory_space<smem>>
    %get3A_1 = arith.constant 1 : index
    %get3A_2 = memref.load %arg0[%get3A_1] : memref<5xf32, #tpu.memory_space<smem>>
    %get3A_3 = arith.constant 4 : index
    %get3A_4 = memref.load %arg0[%get3A_3] : memref<5xf32, #tpu.memory_space<smem>>
    %get3A_5 = arith.constant 2 : index
    %get3A_6 = memref.load %arg0[%get3A_5] : memref<5xf32, #tpu.memory_space<smem>>
    %get3A_7 = arith.constant 3 : index
    %get3A_8 = memref.load %arg0[%get3A_7] : memref<5xf32, #tpu.memory_space<smem>>
    %max3A = arith.maximumf %get3A_6, %get3A_8 : f32
    %mul3A = arith.mulf %get3A_4, %max3A : f32
    %get3A_9 = arith.constant 0 : index
    %get3A_10 = arith.constant 0 : index
    %get3A_11 = vector.load %arg6[%get3A_9, %get3A_10] : memref<176x128xf32, #tpu.memory_space<vmem>>, vector<176x128xf32>
    %get3A_12 = arith.constant 0 : index
    %get3A_13 = arith.constant 0 : index
    %get3A_14 = vector.load %arg7[%get3A_12, %get3A_13] : memref<176x128xf32, #tpu.memory_space<vmem>>, vector<176x128xf32>
    %get3A_15 = arith.constant 0 : index
    %get3A_16 = arith.constant 0 : index
    %get3A_17 = vector.load %arg1[%get3A_15, %get3A_16] : memref<176x128xf32, #tpu.memory_space<vmem>>, vector<176x128xf32>
    %mul3A_18 = arith.mulf %get3A_17, %get3A_11 : vector<176x128xf32>
    %get3A_19 = arith.constant 0 : index
    %get3A_20 = arith.constant 0 : index
    %get3A_21 = vector.load %arg8[%get3A_19, %get3A_20] : memref<176x128xf32, #tpu.memory_space<vmem>>, vector<176x128xf32>
    %add3A = arith.addf %mul3A_18, %get3A_21 : vector<176x128xf32>
    %get3A_22 = arith.constant 0 : index
    %get3A_23 = arith.constant 0 : index
    %get3A_24 = vector.load %arg2[%get3A_22, %get3A_23] : memref<176x128xf32, #tpu.memory_space<vmem>>, vector<176x128xf32>
    %mul3A_25 = arith.mulf %get3A_24, %get3A_14 : vector<176x128xf32>
    %get3A_26 = arith.constant 0 : index
    %get3A_27 = arith.constant 0 : index
    %get3A_28 = vector.load %arg9[%get3A_26, %get3A_27] : memref<176x128xf32, #tpu.memory_space<vmem>>, vector<176x128xf32>
    %add3A_29 = arith.addf %mul3A_25, %get3A_28 : vector<176x128xf32>
    %get3A_30 = arith.constant 0 : index
    %get3A_31 = arith.constant 0 : index
    %get3A_32 = vector.load %arg3[%get3A_30, %get3A_31] : memref<176x128xf32, #tpu.memory_space<vmem>>, vector<176x128xf32>
    %exp3A = math.exp %get3A_32 : vector<176x128xf32>
    %mul3A_33 = arith.mulf %exp3A, %get3A_11 : vector<176x128xf32>
    %get3A_34 = arith.constant 0 : index
    %get3A_35 = arith.constant 0 : index
    %get3A_36 = vector.load %arg4[%get3A_34, %get3A_35] : memref<176x128xf32, #tpu.memory_space<vmem>>, vector<176x128xf32>
    %exp3A_37 = math.exp %get3A_36 : vector<176x128xf32>
    %mul3A_38 = arith.mulf %exp3A_37, %get3A_14 : vector<176x128xf32>
    %mul3A_39 = arith.constant 5.000000e-01 : f32
    %mul3A_40 = vector.broadcast %mul3A_39 : f32 to vector<176x128xf32>
    %mul3A_41 = arith.mulf %mul3A_40, %mul3A_33 : vector<176x128xf32>
    %sub3A = arith.subf %add3A, %mul3A_41 : vector<176x128xf32>
    %sub3A_42 = arith.constant 1.000000e+00 : f32
    %sub3A_43 = arith.subf %get3A_2, %sub3A_42 : f32
    %jit3A = arith.constant 0.000000e+00 : f32
    %max3A_44 = vector.broadcast %jit3A : f32 to vector<176x128xf32>
    %max3A_45 = arith.maximumf %max3A_44, %sub3A : vector<176x128xf32>
    %min3A = vector.broadcast %sub3A_43 : f32 to vector<176x128xf32>
    %min3A_46 = arith.minimumf %min3A, %max3A_45 : vector<176x128xf32>
    %mul3A_47 = arith.constant 5.000000e-01 : f32
    %mul3A_48 = vector.broadcast %mul3A_47 : f32 to vector<176x128xf32>
    %mul3A_49 = arith.mulf %mul3A_48, %mul3A_38 : vector<176x128xf32>
    %sub3A_50 = arith.subf %add3A_29, %mul3A_49 : vector<176x128xf32>
    %sub3A_51 = arith.constant 1.000000e+00 : f32
    %sub3A_52 = arith.subf %get3A_0, %sub3A_51 : f32
    %jit3A_53 = arith.constant 0.000000e+00 : f32
    %max3A_54 = vector.broadcast %jit3A_53 : f32 to vector<176x128xf32>
    %max3A_55 = arith.maximumf %max3A_54, %sub3A_50 : vector<176x128xf32>
    %min3A_56 = vector.broadcast %sub3A_52 : f32 to vector<176x128xf32>
    %min3A_57 = arith.minimumf %min3A_56, %max3A_55 : vector<176x128xf32>
    %mul3A_58 = arith.constant 5.000000e-01 : f32
    %mul3A_59 = vector.broadcast %mul3A_58 : f32 to vector<176x128xf32>
    %mul3A_60 = arith.mulf %mul3A_59, %mul3A_33 : vector<176x128xf32>
    %add3A_61 = arith.addf %add3A, %mul3A_60 : vector<176x128xf32>
    %sub3A_62 = arith.constant 1.000000e+00 : f32
    %sub3A_63 = arith.subf %get3A_2, %sub3A_62 : f32
    %jit3A_64 = arith.constant 0.000000e+00 : f32
    %max3A_65 = vector.broadcast %jit3A_64 : f32 to vector<176x128xf32>
    %max3A_66 = arith.maximumf %max3A_65, %add3A_61 : vector<176x128xf32>
    %min3A_67 = vector.broadcast %sub3A_63 : f32 to vector<176x128xf32>
    %min3A_68 = arith.minimumf %min3A_67, %max3A_66 : vector<176x128xf32>
    %mul3A_69 = arith.constant 5.000000e-01 : f32
    %mul3A_70 = vector.broadcast %mul3A_69 : f32 to vector<176x128xf32>
    %mul3A_71 = arith.mulf %mul3A_70, %mul3A_38 : vector<176x128xf32>
    %add3A_72 = arith.addf %add3A_29, %mul3A_71 : vector<176x128xf32>
    %sub3A_73 = arith.constant 1.000000e+00 : f32
    %sub3A_74 = arith.subf %get3A_0, %sub3A_73 : f32
    %jit3A_75 = arith.constant 0.000000e+00 : f32
    %max3A_76 = vector.broadcast %jit3A_75 : f32 to vector<176x128xf32>
    %max3A_77 = arith.maximumf %max3A_76, %add3A_72 : vector<176x128xf32>
    %min3A_78 = vector.broadcast %sub3A_74 : f32 to vector<176x128xf32>
    %min3A_79 = arith.minimumf %min3A_78, %max3A_77 : vector<176x128xf32>
    %sub3A_80 = arith.subf %min3A_68, %min3A_46 : vector<176x128xf32>
    %add3A_81 = arith.constant 1.000000e+00 : f32
    %add3A_82 = vector.broadcast %add3A_81 : f32 to vector<176x128xf32>
    %add3A_83 = arith.addf %sub3A_80, %add3A_82 : vector<176x128xf32>
    %sub3A_84 = arith.subf %min3A_79, %min3A_57 : vector<176x128xf32>
    %add3A_85 = arith.constant 1.000000e+00 : f32
    %add3A_86 = vector.broadcast %add3A_85 : f32 to vector<176x128xf32>
    %add3A_87 = arith.addf %sub3A_84, %add3A_86 : vector<176x128xf32>
    %gt3A = vector.broadcast %mul3A : f32 to vector<176x128xf32>
    %gt3A_88 = arith.cmpf ogt, %add3A_83, %gt3A : vector<176x128xf32>
    %gt3A_89 = vector.broadcast %mul3A : f32 to vector<176x128xf32>
    %gt3A_90 = arith.cmpf ogt, %add3A_87, %gt3A_89 : vector<176x128xf32>
    %and3A = arith.andi %gt3A_88, %gt3A_90 : vector<176x128xi1>
    %get3A_91 = arith.constant 0 : index
    %get3A_92 = arith.constant 0 : index
    %get3A_93 = vector.load %arg5[%get3A_91, %get3A_92] : memref<176x128xf32, #tpu.memory_space<vmem>>, vector<176x128xf32>
    %jit3A_94 = arith.constant -1.000000e+09 : f32
    %broadcast_in_dim3A = vector.broadcast %jit3A_94 : f32 to vector<176x128xf32>
    %select_n3A = arith.select %and3A, %get3A_93, %broadcast_in_dim3A : vector<176x128xi1>, vector<176x128xf32>
    %iota3A = tpu.iota {dimensions = array<i32: 0>} : vector<176x128xi32>
    %iota3A_95 = tpu.iota {dimensions = array<i32: 1>} : vector<176x128xi32>
    %mul3A_96 = arith.constant 128 : i32
    %mul3A_97 = vector.broadcast %mul3A_96 : i32 to vector<176x128xi32>
    %mul3A_98 = arith.muli %iota3A, %mul3A_97 : vector<176x128xi32>
    %add3A_99 = arith.addi %mul3A_98, %iota3A_95 : vector<176x128xi32>
    %lt3A = arith.constant 22500 : i32
    %lt3A_100 = vector.broadcast %lt3A : i32 to vector<176x128xi32>
    %lt3A_101 = arith.cmpi slt, %add3A_99, %lt3A_100 : vector<176x128xi32>
    %bitcast_convert_type3A = tpu.bitcast %select_n3A : vector<176x128xf32> -> vector<176x128xi32>
    %ge3A = arith.constant 0.000000e+00 : f32
    %ge3A_102 = vector.broadcast %ge3A : f32 to vector<176x128xf32>
    %ge3A_103 = arith.cmpf oge, %select_n3A, %ge3A_102 : vector<176x128xf32>
    %add3A_104 = arith.constant 2 : i32
    %add3A_105 = vector.broadcast %add3A_104 : i32 to vector<176x128xi32>
    %add3A_106 = arith.addi %bitcast_convert_type3A, %add3A_105 : vector<176x128xi32>
    %jit3A_107 = arith.constant 1 : i32
    %broadcast_in_dim3A_108 = vector.broadcast %jit3A_107 : i32 to vector<176x128xi32>
    %select_n3A_109 = arith.select %ge3A_103, %add3A_106, %broadcast_in_dim3A_108 : vector<176x128xi1>, vector<176x128xi32>
    %jit3A_110 = arith.constant 0 : i32
    %broadcast_in_dim3A_111 = vector.broadcast %jit3A_110 : i32 to vector<176x128xi32>
    %select_n3A_112 = arith.select %lt3A_101, %select_n3A_109, %broadcast_in_dim3A_111 : vector<176x128xi1>, vector<176x128xi32>
    %swap3A = arith.constant 0 : index
    %swap3A_113 = arith.constant 0 : index
    %swap3A_114 = vector.load %arg10[%swap3A, %swap3A_113] : memref<176x128xf32, #tpu.memory_space<vmem>>, vector<176x128xf32>
    tpu.vector_store %arg10[%swap3A, %swap3A_113], %min3A_46 {strides = array<i32>} : memref<176x128xf32, #tpu.memory_space<vmem>>, vector<176x128xf32>,
    %swap3A_115 = arith.constant 0 : index
    %swap3A_116 = arith.constant 0 : index
    %swap3A_117 = vector.load %arg11[%swap3A_115, %swap3A_116] : memref<176x128xf32, #tpu.memory_space<vmem>>, vector<176x128xf32>
    tpu.vector_store %arg11[%swap3A_115, %swap3A_116], %min3A_57 {strides = array<i32>} : memref<176x128xf32, #tpu.memory_space<vmem>>, vector<176x128xf32>,
    %swap3A_118 = arith.constant 0 : index
    %swap3A_119 = arith.constant 0 : index
    %swap3A_120 = vector.load %arg12[%swap3A_118, %swap3A_119] : memref<176x128xf32, #tpu.memory_space<vmem>>, vector<176x128xf32>
    tpu.vector_store %arg12[%swap3A_118, %swap3A_119], %min3A_68 {strides = array<i32>} : memref<176x128xf32, #tpu.memory_space<vmem>>, vector<176x128xf32>,
    %swap3A_121 = arith.constant 0 : index
    %swap3A_122 = arith.constant 0 : index
    %swap3A_123 = vector.load %arg13[%swap3A_121, %swap3A_122] : memref<176x128xf32, #tpu.memory_space<vmem>>, vector<176x128xf32>
    tpu.vector_store %arg13[%swap3A_121, %swap3A_122], %min3A_79 {strides = array<i32>} : memref<176x128xf32, #tpu.memory_space<vmem>>, vector<176x128xf32>,
    %swap3A_124 = arith.constant 0 : index
    %swap3A_125 = arith.constant 0 : index
    %swap3A_126 = vector.load %arg14[%swap3A_124, %swap3A_125] : memref<176x128xi32, #tpu.memory_space<vmem>>, vector<176x128xi32>
    tpu.vector_store %arg14[%swap3A_124, %swap3A_125], %select_n3A_112 {strides = array<i32>} : memref<176x128xi32, #tpu.memory_space<vmem>>, vector<176x128xi32>,
    %scan3A = arith.constant 0 : i32
    %scan3A_127 = arith.constant 1073741823 : i32
    %scan3A_128 = arith.constant 0 : i32
    %scan3A_129 = arith.constant 30 : i32
    %scan3A_130 = arith.addi %scan3A_128, %scan3A_129 : i32
    %scan3A_131 = arith.constant 1 : i32
    %scan3A_132:2 = scf.for %scan3A_195 = %scan3A_128 to %scan3A_130 step %scan3A_131 iter_args(%scan3A_196 = %scan3A, %scan3A_197 = %scan3A_127) -> (i32, i32)  : i32 {
      %add3A_198 = arith.addi %scan3A_196, %scan3A_197 : i32
      %add3A_199 = arith.constant 1 : i32
      %add3A_200 = arith.addi %add3A_198, %add3A_199 : i32
      %jit3A_201 = arith.constant 2 : i32
      %div3A = arith.divsi %add3A_200, %jit3A_201 : i32
      %sign3A = arith.constant 0 : i32
      %sign3A_202 = arith.cmpi sgt, %add3A_200, %sign3A : i32
      %sign3A_203 = arith.extui %sign3A_202 : i1 to i32
      %sign3A_204 = arith.constant 0 : i32
      %sign3A_205 = arith.cmpi slt, %add3A_200, %sign3A_204 : i32
      %sign3A_206 = arith.extui %sign3A_205 : i1 to i32
      %sign3A_207 = arith.subi %sign3A_203, %sign3A_206 : i32
      %sign3A_208 = arith.constant 0 : i32
      %sign3A_209 = arith.cmpi sgt, %jit3A_201, %sign3A_208 : i32
      %sign3A_210 = arith.extui %sign3A_209 : i1 to i32
      %sign3A_211 = arith.constant 0 : i32
      %sign3A_212 = arith.cmpi slt, %jit3A_201, %sign3A_211 : i32
      %sign3A_213 = arith.extui %sign3A_212 : i1 to i32
      %sign3A_214 = arith.subi %sign3A_210, %sign3A_213 : i32
      %ne3A = arith.cmpi ne, %sign3A_207, %sign3A_214 : i32
      %rem3A = arith.remsi %add3A_200, %jit3A_201 : i32
      %ne3A_215 = arith.constant 0 : i32
      %ne3A_216 = arith.cmpi ne, %rem3A, %ne3A_215 : i32
      %and3A_217 = arith.andi %ne3A, %ne3A_216 : i1
      %sub3A_218 = arith.constant 1 : i32
      %sub3A_219 = arith.subi %div3A, %sub3A_218 : i32
      %select_n3A_220 = arith.select %and3A_217, %sub3A_219, %div3A : i32
      %ge3A_221 = vector.broadcast %select_n3A_220 : i32 to vector<176x128xi32>
      %ge3A_222 = arith.cmpi sge, %select_n3A_112, %ge3A_221 : vector<176x128xi32>
      %convert_element_type3A_223 = arith.extui %ge3A_222 : vector<176x128xi1> to vector<176x128xi32>
      %reduce_sum3A_224 = vector.shape_cast %convert_element_type3A_223 : vector<176x128xi32> to vector<1x176x128xi32>
      %reduce_sum3A_225 = arith.constant dense<0> : vector<1xi32>
      %reduce_sum3A_226 = vector.multi_reduction <add>, %reduce_sum3A_224, %reduce_sum3A_225 [1, 2] : vector<1x176x128xi32> to vector<1xi32>
      %reduce_sum3A_227 = vector.shape_cast %reduce_sum3A_226 : vector<1xi32> to vector<1x1x1xi32>
      %reduce_sum3A_228 = vector.extract %reduce_sum3A_227[0, 0, 0] : i32 from vector<1x1x1xi32>
      %ge3A_229 = arith.constant 2000 : i32
      %ge3A_230 = arith.cmpi sge, %reduce_sum3A_228, %ge3A_229 : i32
      %select_n3A_231 = arith.select %ge3A_230, %select_n3A_220, %scan3A_196 : i32
      %sub3A_232 = arith.constant 1 : i32
      %sub3A_233 = arith.subi %select_n3A_220, %sub3A_232 : i32
      %select_n3A_234 = arith.select %ge3A_230, %scan3A_197, %sub3A_233 : i32
      scf.yield %select_n3A_231, %select_n3A_234 : i32, i32
    }
    %add3A_133 = arith.constant 1 : i32
    %add3A_134 = arith.addi %scan3A_132#0, %add3A_133 : i32
    %ge3A_135 = vector.broadcast %add3A_134 : i32 to vector<176x128xi32>
    %ge3A_136 = arith.cmpi sge, %select_n3A_112, %ge3A_135 : vector<176x128xi32>
    %convert_element_type3A = arith.extui %ge3A_136 : vector<176x128xi1> to vector<176x128xi32>
    %reduce_sum3A = vector.shape_cast %convert_element_type3A : vector<176x128xi32> to vector<1x176x128xi32>
    %reduce_sum3A_137 = arith.constant dense<0> : vector<1xi32>
    %reduce_sum3A_138 = vector.multi_reduction <add>, %reduce_sum3A, %reduce_sum3A_137 [1, 2] : vector<1x176x128xi32> to vector<1xi32>
    %reduce_sum3A_139 = vector.shape_cast %reduce_sum3A_138 : vector<1xi32> to vector<1x1x1xi32>
    %reduce_sum3A_140 = vector.extract %reduce_sum3A_139[0, 0, 0] : i32 from vector<1x1x1xi32>
    %sub3A_141 = arith.constant 2000 : i32
    %sub3A_142 = arith.subi %sub3A_141, %reduce_sum3A_140 : i32
    %convert_element_type3A_143 = arith.sitofp %sub3A_142 : i32 to f32
    %eq3A = vector.broadcast %scan3A_132#0 : i32 to vector<176x128xi32>
    %eq3A_144 = arith.cmpi eq, %select_n3A_112, %eq3A : vector<176x128xi32>
    %convert_element_type3A_145 = arith.extui %eq3A_144 : vector<176x128xi1> to vector<176x128xi32>
    %convert_element_type3A_146 = arith.sitofp %convert_element_type3A_145 : vector<176x128xi32> to vector<176x128xf32>
    %iota3A_147 = tpu.iota {dimensions = array<i32: 0>} : vector<128x128xi32>
    %iota3A_148 = tpu.iota {dimensions = array<i32: 1>} : vector<128x128xi32>
    %le3A = arith.cmpi sle, %iota3A_147, %iota3A_148 : vector<128x128xi32>
    %convert_element_type3A_149 = arith.extui %le3A : vector<128x128xi1> to vector<128x128xi32>
    %convert_element_type3A_150 = arith.sitofp %convert_element_type3A_149 : vector<128x128xi32> to vector<128x128xf32>
    %dot_general3A = arith.constant dense<0.000000e+00> : vector<176x128xf32>
    %dot_general3A_151 = tpu.matmul %convert_element_type3A_146, %convert_element_type3A_150, %dot_general3A {dimension_numbers = #tpu.dot_dimension_numbers<[1], [0], [0], [1], [0, 0, 1, 1], [], []>, transpose_lhs_hint = false} : vector<176x128xf32>, vector<128x128xf32>, vector<176x128xf32> -> vector<176x128xf32>
    %slice3A = vector.extract_strided_slice %dot_general3A_151 {offsets = [0, 127], sizes = [176, 1], strides = [1, 1]} : vector<176x128xf32> to vector<176x1xf32>
    %iota3A_152 = tpu.iota {dimensions = array<i32: 1>} : vector<176x176xi32>
    %iota3A_153 = tpu.iota {dimensions = array<i32: 0>} : vector<176x176xi32>
    %lt3A_154 = arith.cmpi slt, %iota3A_152, %iota3A_153 : vector<176x176xi32>
    %convert_element_type3A_155 = arith.extui %lt3A_154 : vector<176x176xi1> to vector<176x176xi32>
    %convert_element_type3A_156 = arith.sitofp %convert_element_type3A_155 : vector<176x176xi32> to vector<176x176xf32>
    %dot_general3A_157 = arith.constant dense<0.000000e+00> : vector<176x1xf32>
    %dot_general3A_158 = tpu.matmul %convert_element_type3A_156, %slice3A, %dot_general3A_157 {dimension_numbers = #tpu.dot_dimension_numbers<[1], [0], [0], [1], [0, 0, 1, 1], [], []>, transpose_lhs_hint = false} : vector<176x176xf32>, vector<176x1xf32>, vector<176x1xf32> -> vector<176x1xf32>
    %add3A_159 = vector.broadcast %dot_general3A_158 : vector<176x1xf32> to vector<176x128xf32>
    %add3A_160 = arith.addf %add3A_159, %dot_general3A_151 : vector<176x128xf32>
    %sub3A_161 = arith.subf %add3A_160, %convert_element_type3A_146 : vector<176x128xf32>
    %gt3A_162 = vector.broadcast %scan3A_132#0 : i32 to vector<176x128xi32>
    %gt3A_163 = arith.cmpi sgt, %select_n3A_112, %gt3A_162 : vector<176x128xi32>
    %lt3A_164 = vector.broadcast %convert_element_type3A_143 : f32 to vector<176x128xf32>
    %lt3A_165 = arith.cmpf olt, %sub3A_161, %lt3A_164 : vector<176x128xf32>
    %and3A_166 = arith.andi %eq3A_144, %lt3A_165 : vector<176x128xi1>
    %or3A = arith.ori %gt3A_163, %and3A_166 : vector<176x128xi1>
    %convert_element_type3A_167 = arith.extui %or3A : vector<176x128xi1> to vector<176x128xi32>
    %convert_element_type3A_168 = arith.sitofp %convert_element_type3A_167 : vector<176x128xi32> to vector<176x128xf32>
    %iota3A_169 = tpu.iota {dimensions = array<i32: 0>} : vector<128x128xi32>
    %iota3A_170 = tpu.iota {dimensions = array<i32: 1>} : vector<128x128xi32>
    %le3A_171 = arith.cmpi sle, %iota3A_169, %iota3A_170 : vector<128x128xi32>
    %convert_element_type3A_172 = arith.extui %le3A_171 : vector<128x128xi1> to vector<128x128xi32>
    %convert_element_type3A_173 = arith.sitofp %convert_element_type3A_172 : vector<128x128xi32> to vector<128x128xf32>
    %dot_general3A_174 = arith.constant dense<0.000000e+00> : vector<176x128xf32>
    %dot_general3A_175 = tpu.matmul %convert_element_type3A_168, %convert_element_type3A_173, %dot_general3A_174 {dimension_numbers = #tpu.dot_dimension_numbers<[1], [0], [0], [1], [0, 0, 1, 1], [], []>, transpose_lhs_hint = false} : vector<176x128xf32>, vector<128x128xf32>, vector<176x128xf32> -> vector<176x128xf32>
    %slice3A_176 = vector.extract_strided_slice %dot_general3A_175 {offsets = [0, 127], sizes = [176, 1], strides = [1, 1]} : vector<176x128xf32> to vector<176x1xf32>
    %iota3A_177 = tpu.iota {dimensions = array<i32: 1>} : vector<176x176xi32>
    %iota3A_178 = tpu.iota {dimensions = array<i32: 0>} : vector<176x176xi32>
    %lt3A_179 = arith.cmpi slt, %iota3A_177, %iota3A_178 : vector<176x176xi32>
    %convert_element_type3A_180 = arith.extui %lt3A_179 : vector<176x176xi1> to vector<176x176xi32>
    %convert_element_type3A_181 = arith.sitofp %convert_element_type3A_180 : vector<176x176xi32> to vector<176x176xf32>
    %dot_general3A_182 = arith.constant dense<0.000000e+00> : vector<176x1xf32>
    %dot_general3A_183 = tpu.matmul %convert_element_type3A_181, %slice3A_176, %dot_general3A_182 {dimension_numbers = #tpu.dot_dimension_numbers<[1], [0], [0], [1], [0, 0, 1, 1], [], []>, transpose_lhs_hint = false} : vector<176x176xf32>, vector<176x1xf32>, vector<176x1xf32> -> vector<176x1xf32>
    %add3A_184 = vector.broadcast %dot_general3A_183 : vector<176x1xf32> to vector<176x128xf32>
    %add3A_185 = arith.addf %add3A_184, %dot_general3A_175 : vector<176x128xf32>
    %sub3A_186 = arith.subf %add3A_185, %convert_element_type3A_168 : vector<176x128xf32>
    %convert_element_type3A_187 = arith.fptosi %sub3A_186 : vector<176x128xf32> to vector<176x128xi32>
    %add3A_188 = arith.constant 2048 : i32
    %add3A_189 = vector.broadcast %add3A_188 : i32 to vector<176x128xi32>
    %add3A_190 = arith.addi %add3A_189, %add3A_99 : vector<176x128xi32>
    %select_n3A_191 = arith.select %or3A, %convert_element_type3A_187, %add3A_190 : vector<176x128xi1>, vector<176x128xi32>
    %swap3A_192 = arith.constant 0 : index
    %swap3A_193 = arith.constant 0 : index
    %swap3A_194 = vector.load %arg15[%swap3A_192, %swap3A_193] : memref<176x128xi32, #tpu.memory_space<vmem>>, vector<176x128xi32>
    tpu.vector_store %arg15[%swap3A_192, %swap3A_193], %select_n3A_191 {strides = array<i32>} : memref<176x128xi32, #tpu.memory_space<vmem>>, vector<176x128xi32>,
    return
  }
}

module attributes {stable_mosaic.version = 14 : i64} {
  func.func @_nms_body(%arg0: memref<1xi32, #tpu.memory_space<smem>>, %arg1: memref<24x128xf32, #tpu.memory_space<vmem>>, %arg2: memref<24x128xf32, #tpu.memory_space<vmem>>, %arg3: memref<24x128xf32, #tpu.memory_space<vmem>>, %arg4: memref<24x128xf32, #tpu.memory_space<vmem>>, %arg5: memref<24x128xi32, #tpu.memory_space<vmem>>, %arg6: memref<304x8xf32, #tpu.memory_space<vmem>>, %arg7: memref<24x128xi32, #tpu.memory_space<vmem>>) attributes {dimension_semantics = [], scalar_prefetch = 0 : i64, scratch_operands = 1 : i64, tpu.core_type = #tpu.core_type<tc>} {
    %iota3A = tpu.iota {dimensions = array<i32: 0>} : vector<24x128xi32>
    %iota3A_0 = tpu.iota {dimensions = array<i32: 1>} : vector<24x128xi32>
    %mul3A = arith.constant 128 : i32
    %mul3A_1 = vector.broadcast %mul3A : i32 to vector<24x128xi32>
    %mul3A_2 = arith.muli %iota3A, %mul3A_1 : vector<24x128xi32>
    %add3A = arith.addi %mul3A_2, %iota3A_0 : vector<24x128xi32>
    %lt3A = arith.constant 2000 : i32
    %lt3A_3 = vector.broadcast %lt3A : i32 to vector<24x128xi32>
    %lt3A_4 = arith.cmpi slt, %add3A, %lt3A_3 : vector<24x128xi32>
    %convert_element_type3A = arith.extui %lt3A_4 : vector<24x128xi1> to vector<24x128xi32>
    %swap3A = arith.constant 0 : index
    %swap3A_5 = arith.constant 0 : index
    %swap3A_6 = vector.load %arg7[%swap3A, %swap3A_5] : memref<24x128xi32, #tpu.memory_space<vmem>>, vector<24x128xi32>
    tpu.vector_store %arg7[%swap3A, %swap3A_5], %convert_element_type3A {strides = array<i32>} : memref<24x128xi32, #tpu.memory_space<vmem>>, vector<24x128xi32>,
    %broadcast_in_dim3A = arith.constant 0.000000e+00 : f32
    %broadcast_in_dim3A_7 = vector.broadcast %broadcast_in_dim3A : f32 to vector<304x8xf32>
    %swap3A_8 = arith.constant 0 : index
    %swap3A_9 = arith.constant 0 : index
    %swap3A_10 = vector.load %arg6[%swap3A_8, %swap3A_9] : memref<304x8xf32, #tpu.memory_space<vmem>>, vector<304x8xf32>
    tpu.vector_store %arg6[%swap3A_8, %swap3A_9], %broadcast_in_dim3A_7 {strides = array<i32>} : memref<304x8xf32, #tpu.memory_space<vmem>>, vector<304x8xf32>,
    %while3A = arith.constant 0 : i32
    %while3A_11 = arith.constant true
    %while3A_12:2 = scf.while (%while3A_13 = %while3A, %while3A_14 = %while3A_11) : (i32, i1) -> (i32, i1) {
      %get3A = arith.constant 0 : index
      %get3A_15 = memref.load %arg0[%get3A] : memref<1xi32, #tpu.memory_space<smem>>
      %lt3A_16 = arith.cmpi slt, %while3A_13, %get3A_15 : i32
      %and3A = arith.andi %while3A_14, %lt3A_16 : i1
      scf.condition(%and3A) %while3A_13, %while3A_14 : i32, i1
    } do {
    ^bb0(%while3A_13: i32, %while3A_14: i1):
      %get3A = arith.constant 0 : index
      %get3A_15 = arith.constant 0 : index
      %get3A_16 = vector.load %arg7[%get3A, %get3A_15] : memref<24x128xi32, #tpu.memory_space<vmem>>, vector<24x128xi32>
      %get3A_17 = arith.constant 0 : index
      %get3A_18 = arith.constant 0 : index
      %get3A_19 = vector.load %arg5[%get3A_17, %get3A_18] : memref<24x128xi32, #tpu.memory_space<vmem>>, vector<24x128xi32>
      %gt3A = arith.constant 0 : i32
      %gt3A_20 = vector.broadcast %gt3A : i32 to vector<24x128xi32>
      %gt3A_21 = arith.cmpi sgt, %get3A_16, %gt3A_20 : vector<24x128xi32>
      %jit3A = arith.constant -1 : i32
      %broadcast_in_dim3A_22 = vector.broadcast %jit3A : i32 to vector<24x128xi32>
      %select_n3A = arith.select %gt3A_21, %get3A_19, %broadcast_in_dim3A_22 : vector<24x128xi1>, vector<24x128xi32>
      %reduce_max3A = vector.shape_cast %select_n3A : vector<24x128xi32> to vector<1x24x128xi32>
      %reduce_max3A_23 = arith.constant dense<-2147483648> : vector<1xi32>
      %reduce_max3A_24 = vector.multi_reduction <maxsi>, %reduce_max3A, %reduce_max3A_23 [1, 2] : vector<1x24x128xi32> to vector<1xi32>
      %reduce_max3A_25 = vector.shape_cast %reduce_max3A_24 : vector<1xi32> to vector<1x1x1xi32>
      %reduce_max3A_26 = vector.extract %reduce_max3A_25[0, 0, 0] : i32 from vector<1x1x1xi32>
      %ge3A = arith.constant 1 : i32
      %ge3A_27 = arith.cmpi sge, %reduce_max3A_26, %ge3A : i32
      %convert_element_type3A_28 = arith.extui %ge3A_27 : i1 to i32
      %cond3A = arith.constant 0 : i32
      %cond3A_29 = arith.cmpi ne, %convert_element_type3A_28, %cond3A : i32
      scf.if %cond3A_29 {
        %iota3A_32 = tpu.iota {dimensions = array<i32: 0>} : vector<24x128xi32>
        %iota3A_33 = tpu.iota {dimensions = array<i32: 1>} : vector<24x128xi32>
        %mul3A_34 = arith.constant 128 : i32
        %mul3A_35 = vector.broadcast %mul3A_34 : i32 to vector<24x128xi32>
        %mul3A_36 = arith.muli %iota3A_32, %mul3A_35 : vector<24x128xi32>
        %add3A_37 = arith.addi %mul3A_36, %iota3A_33 : vector<24x128xi32>
        %eq3A = vector.broadcast %reduce_max3A_26 : i32 to vector<24x128xi32>
        %eq3A_38 = arith.cmpi eq, %select_n3A, %eq3A : vector<24x128xi32>
        %jit3A_39 = arith.constant 1073741824 : i32
        %broadcast_in_dim3A_40 = vector.broadcast %jit3A_39 : i32 to vector<24x128xi32>
        %select_n3A_41 = arith.select %eq3A_38, %add3A_37, %broadcast_in_dim3A_40 : vector<24x128xi1>, vector<24x128xi32>
        %reduce_min3A = vector.shape_cast %select_n3A_41 : vector<24x128xi32> to vector<1x24x128xi32>
        %reduce_min3A_42 = arith.constant dense<2147483647> : vector<1xi32>
        %reduce_min3A_43 = vector.multi_reduction <minsi>, %reduce_min3A, %reduce_min3A_42 [1, 2] : vector<1x24x128xi32> to vector<1xi32>
        %reduce_min3A_44 = vector.shape_cast %reduce_min3A_43 : vector<1xi32> to vector<1x1x1xi32>
        %reduce_min3A_45 = vector.extract %reduce_min3A_44[0, 0, 0] : i32 from vector<1x1x1xi32>
        %eq3A_46 = vector.broadcast %reduce_min3A_45 : i32 to vector<24x128xi32>
        %eq3A_47 = arith.cmpi eq, %add3A_37, %eq3A_46 : vector<24x128xi32>
        %get3A_48 = arith.constant 0 : index
        %get3A_49 = arith.constant 0 : index
        %get3A_50 = vector.load %arg1[%get3A_48, %get3A_49] : memref<24x128xf32, #tpu.memory_space<vmem>>, vector<24x128xf32>
        %get3A_51 = arith.constant 0 : index
        %get3A_52 = arith.constant 0 : index
        %get3A_53 = vector.load %arg2[%get3A_51, %get3A_52] : memref<24x128xf32, #tpu.memory_space<vmem>>, vector<24x128xf32>
        %get3A_54 = arith.constant 0 : index
        %get3A_55 = arith.constant 0 : index
        %get3A_56 = vector.load %arg3[%get3A_54, %get3A_55] : memref<24x128xf32, #tpu.memory_space<vmem>>, vector<24x128xf32>
        %get3A_57 = arith.constant 0 : index
        %get3A_58 = arith.constant 0 : index
        %get3A_59 = vector.load %arg4[%get3A_57, %get3A_58] : memref<24x128xf32, #tpu.memory_space<vmem>>, vector<24x128xf32>
        %sub3A = arith.subf %get3A_56, %get3A_50 : vector<24x128xf32>
        %add3A_60 = arith.constant 1.000000e+00 : f32
        %add3A_61 = vector.broadcast %add3A_60 : f32 to vector<24x128xf32>
        %add3A_62 = arith.addf %sub3A, %add3A_61 : vector<24x128xf32>
        %sub3A_63 = arith.subf %get3A_59, %get3A_53 : vector<24x128xf32>
        %add3A_64 = arith.constant 1.000000e+00 : f32
        %add3A_65 = vector.broadcast %add3A_64 : f32 to vector<24x128xf32>
        %add3A_66 = arith.addf %sub3A_63, %add3A_65 : vector<24x128xf32>
        %mul3A_67 = arith.mulf %add3A_62, %add3A_66 : vector<24x128xf32>
        %eq3A_68 = arith.constant 1 : i32
        %eq3A_69 = vector.broadcast %eq3A_68 : i32 to vector<24x128xi32>
        %eq3A_70 = arith.cmpi eq, %get3A_19, %eq3A_69 : vector<24x128xi32>
        %sub3A_71 = arith.constant 2 : i32
        %sub3A_72 = vector.broadcast %sub3A_71 : i32 to vector<24x128xi32>
        %sub3A_73 = arith.subi %get3A_19, %sub3A_72 : vector<24x128xi32>
        %bitcast_convert_type3A = tpu.bitcast %sub3A_73 : vector<24x128xi32> -> vector<24x128xf32>
        %jit3A_74 = arith.constant -1.000000e+09 : f32
        %broadcast_in_dim3A_75 = vector.broadcast %jit3A_74 : f32 to vector<24x128xf32>
        %select_n3A_76 = arith.select %eq3A_70, %broadcast_in_dim3A_75, %bitcast_convert_type3A : vector<24x128xi1>, vector<24x128xf32>
        %jit3A_77 = arith.constant 0.000000e+00 : f32
        %broadcast_in_dim3A_78 = vector.broadcast %jit3A_77 : f32 to vector<24x128xf32>
        %select_n3A_79 = arith.select %eq3A_47, %get3A_50, %broadcast_in_dim3A_78 : vector<24x128xi1>, vector<24x128xf32>
        %reduce_sum3A = vector.shape_cast %select_n3A_79 : vector<24x128xf32> to vector<1x24x128xf32>
        %reduce_sum3A_80 = arith.constant dense<0.000000e+00> : vector<1xf32>
        %reduce_sum3A_81 = vector.multi_reduction <add>, %reduce_sum3A, %reduce_sum3A_80 [1, 2] : vector<1x24x128xf32> to vector<1xf32>
        %reduce_sum3A_82 = vector.shape_cast %reduce_sum3A_81 : vector<1xf32> to vector<1x1x1xf32>
        %reduce_sum3A_83 = vector.extract %reduce_sum3A_82[0, 0, 0] : f32 from vector<1x1x1xf32>
        %jit3A_84 = arith.constant 0.000000e+00 : f32
        %broadcast_in_dim3A_85 = vector.broadcast %jit3A_84 : f32 to vector<24x128xf32>
        %select_n3A_86 = arith.select %eq3A_47, %get3A_53, %broadcast_in_dim3A_85 : vector<24x128xi1>, vector<24x128xf32>
        %reduce_sum3A_87 = vector.shape_cast %select_n3A_86 : vector<24x128xf32> to vector<1x24x128xf32>
        %reduce_sum3A_88 = arith.constant dense<0.000000e+00> : vector<1xf32>
        %reduce_sum3A_89 = vector.multi_reduction <add>, %reduce_sum3A_87, %reduce_sum3A_88 [1, 2] : vector<1x24x128xf32> to vector<1xf32>
        %reduce_sum3A_90 = vector.shape_cast %reduce_sum3A_89 : vector<1xf32> to vector<1x1x1xf32>
        %reduce_sum3A_91 = vector.extract %reduce_sum3A_90[0, 0, 0] : f32 from vector<1x1x1xf32>
        %jit3A_92 = arith.constant 0.000000e+00 : f32
        %broadcast_in_dim3A_93 = vector.broadcast %jit3A_92 : f32 to vector<24x128xf32>
        %select_n3A_94 = arith.select %eq3A_47, %get3A_56, %broadcast_in_dim3A_93 : vector<24x128xi1>, vector<24x128xf32>
        %reduce_sum3A_95 = vector.shape_cast %select_n3A_94 : vector<24x128xf32> to vector<1x24x128xf32>
        %reduce_sum3A_96 = arith.constant dense<0.000000e+00> : vector<1xf32>
        %reduce_sum3A_97 = vector.multi_reduction <add>, %reduce_sum3A_95, %reduce_sum3A_96 [1, 2] : vector<1x24x128xf32> to vector<1xf32>
        %reduce_sum3A_98 = vector.shape_cast %reduce_sum3A_97 : vector<1xf32> to vector<1x1x1xf32>
        %reduce_sum3A_99 = vector.extract %reduce_sum3A_98[0, 0, 0] : f32 from vector<1x1x1xf32>
        %jit3A_100 = arith.constant 0.000000e+00 : f32
        %broadcast_in_dim3A_101 = vector.broadcast %jit3A_100 : f32 to vector<24x128xf32>
        %select_n3A_102 = arith.select %eq3A_47, %get3A_59, %broadcast_in_dim3A_101 : vector<24x128xi1>, vector<24x128xf32>
        %reduce_sum3A_103 = vector.shape_cast %select_n3A_102 : vector<24x128xf32> to vector<1x24x128xf32>
        %reduce_sum3A_104 = arith.constant dense<0.000000e+00> : vector<1xf32>
        %reduce_sum3A_105 = vector.multi_reduction <add>, %reduce_sum3A_103, %reduce_sum3A_104 [1, 2] : vector<1x24x128xf32> to vector<1xf32>
        %reduce_sum3A_106 = vector.shape_cast %reduce_sum3A_105 : vector<1xf32> to vector<1x1x1xf32>
        %reduce_sum3A_107 = vector.extract %reduce_sum3A_106[0, 0, 0] : f32 from vector<1x1x1xf32>
        %jit3A_108 = arith.constant 0.000000e+00 : f32
        %broadcast_in_dim3A_109 = vector.broadcast %jit3A_108 : f32 to vector<24x128xf32>
        %select_n3A_110 = arith.select %eq3A_47, %mul3A_67, %broadcast_in_dim3A_109 : vector<24x128xi1>, vector<24x128xf32>
        %reduce_sum3A_111 = vector.shape_cast %select_n3A_110 : vector<24x128xf32> to vector<1x24x128xf32>
        %reduce_sum3A_112 = arith.constant dense<0.000000e+00> : vector<1xf32>
        %reduce_sum3A_113 = vector.multi_reduction <add>, %reduce_sum3A_111, %reduce_sum3A_112 [1, 2] : vector<1x24x128xf32> to vector<1xf32>
        %reduce_sum3A_114 = vector.shape_cast %reduce_sum3A_113 : vector<1xf32> to vector<1x1x1xf32>
        %reduce_sum3A_115 = vector.extract %reduce_sum3A_114[0, 0, 0] : f32 from vector<1x1x1xf32>
        %jit3A_116 = arith.constant 0.000000e+00 : f32
        %broadcast_in_dim3A_117 = vector.broadcast %jit3A_116 : f32 to vector<24x128xf32>
        %select_n3A_118 = arith.select %eq3A_47, %select_n3A_76, %broadcast_in_dim3A_117 : vector<24x128xi1>, vector<24x128xf32>
        %reduce_sum3A_119 = vector.shape_cast %select_n3A_118 : vector<24x128xf32> to vector<1x24x128xf32>
        %reduce_sum3A_120 = arith.constant dense<0.000000e+00> : vector<1xf32>
        %reduce_sum3A_121 = vector.multi_reduction <add>, %reduce_sum3A_119, %reduce_sum3A_120 [1, 2] : vector<1x24x128xf32> to vector<1xf32>
        %reduce_sum3A_122 = vector.shape_cast %reduce_sum3A_121 : vector<1xf32> to vector<1x1x1xf32>
        %reduce_sum3A_123 = vector.extract %reduce_sum3A_122[0, 0, 0] : f32 from vector<1x1x1xf32>
        %max3A = vector.broadcast %reduce_sum3A_83 : f32 to vector<24x128xf32>
        %max3A_124 = arith.maximumf %get3A_50, %max3A : vector<24x128xf32>
        %max3A_125 = vector.broadcast %reduce_sum3A_91 : f32 to vector<24x128xf32>
        %max3A_126 = arith.maximumf %get3A_53, %max3A_125 : vector<24x128xf32>
        %min3A = vector.broadcast %reduce_sum3A_99 : f32 to vector<24x128xf32>
        %min3A_127 = arith.minimumf %get3A_56, %min3A : vector<24x128xf32>
        %min3A_128 = vector.broadcast %reduce_sum3A_107 : f32 to vector<24x128xf32>
        %min3A_129 = arith.minimumf %get3A_59, %min3A_128 : vector<24x128xf32>
        %sub3A_130 = arith.subf %min3A_127, %max3A_124 : vector<24x128xf32>
        %add3A_131 = arith.constant 1.000000e+00 : f32
        %add3A_132 = vector.broadcast %add3A_131 : f32 to vector<24x128xf32>
        %add3A_133 = arith.addf %sub3A_130, %add3A_132 : vector<24x128xf32>
        %max3A_134 = arith.constant 0.000000e+00 : f32
        %max3A_135 = vector.broadcast %max3A_134 : f32 to vector<24x128xf32>
        %max3A_136 = arith.maximumf %add3A_133, %max3A_135 : vector<24x128xf32>
        %sub3A_137 = arith.subf %min3A_129, %max3A_126 : vector<24x128xf32>
        %add3A_138 = arith.constant 1.000000e+00 : f32
        %add3A_139 = vector.broadcast %add3A_138 : f32 to vector<24x128xf32>
        %add3A_140 = arith.addf %sub3A_137, %add3A_139 : vector<24x128xf32>
        %max3A_141 = arith.constant 0.000000e+00 : f32
        %max3A_142 = vector.broadcast %max3A_141 : f32 to vector<24x128xf32>
        %max3A_143 = arith.maximumf %add3A_140, %max3A_142 : vector<24x128xf32>
        %mul3A_144 = arith.mulf %max3A_136, %max3A_143 : vector<24x128xf32>
        %add3A_145 = vector.broadcast %reduce_sum3A_115 : f32 to vector<24x128xf32>
        %add3A_146 = arith.addf %add3A_145, %mul3A_67 : vector<24x128xf32>
        %sub3A_147 = arith.subf %add3A_146, %mul3A_144 : vector<24x128xf32>
        %div3A = arith.divf %mul3A_144, %sub3A_147 : vector<24x128xf32>
        %gt3A_148 = arith.constant 0.699999988 : f32
        %gt3A_149 = vector.broadcast %gt3A_148 : f32 to vector<24x128xf32>
        %gt3A_150 = arith.cmpf ogt, %div3A, %gt3A_149 : vector<24x128xf32>
        %jit3A_151 = arith.constant 0 : i32
        %broadcast_in_dim3A_152 = vector.broadcast %jit3A_151 : i32 to vector<24x128xi32>
        %select_n3A_153 = arith.select %gt3A_150, %broadcast_in_dim3A_152, %get3A_16 : vector<24x128xi1>, vector<24x128xi32>
        %swap3A_154 = arith.constant 0 : index
        %swap3A_155 = arith.constant 0 : index
        %swap3A_156 = vector.load %arg7[%swap3A_154, %swap3A_155] : memref<24x128xi32, #tpu.memory_space<vmem>>, vector<24x128xi32>
        tpu.vector_store %arg7[%swap3A_154, %swap3A_155], %select_n3A_153 {strides = array<i32>} : memref<24x128xi32, #tpu.memory_space<vmem>>, vector<24x128xi32>,
        %iota3A_157 = tpu.iota {dimensions = array<i32: 1>} : vector<1x8xi32>
        %eq3A_158 = arith.constant 0 : i32
        %eq3A_159 = vector.broadcast %eq3A_158 : i32 to vector<1x8xi32>
        %eq3A_160 = arith.cmpi eq, %iota3A_157, %eq3A_159 : vector<1x8xi32>
        %eq3A_161 = arith.constant 1 : i32
        %eq3A_162 = vector.broadcast %eq3A_161 : i32 to vector<1x8xi32>
        %eq3A_163 = arith.cmpi eq, %iota3A_157, %eq3A_162 : vector<1x8xi32>
        %eq3A_164 = arith.constant 2 : i32
        %eq3A_165 = vector.broadcast %eq3A_164 : i32 to vector<1x8xi32>
        %eq3A_166 = arith.cmpi eq, %iota3A_157, %eq3A_165 : vector<1x8xi32>
        %eq3A_167 = arith.constant 3 : i32
        %eq3A_168 = vector.broadcast %eq3A_167 : i32 to vector<1x8xi32>
        %eq3A_169 = arith.cmpi eq, %iota3A_157, %eq3A_168 : vector<1x8xi32>
        %eq3A_170 = arith.constant 4 : i32
        %eq3A_171 = vector.broadcast %eq3A_170 : i32 to vector<1x8xi32>
        %eq3A_172 = arith.cmpi eq, %iota3A_157, %eq3A_171 : vector<1x8xi32>
        %jit3A_173 = arith.constant 0.000000e+00 : f32
        %broadcast_in_dim3A_174 = vector.broadcast %reduce_sum3A_123 : f32 to vector<1x8xf32>
        %broadcast_in_dim3A_175 = vector.broadcast %jit3A_173 : f32 to vector<1x8xf32>
        %select_n3A_176 = arith.select %eq3A_172, %broadcast_in_dim3A_174, %broadcast_in_dim3A_175 : vector<1x8xi1>, vector<1x8xf32>
        %broadcast_in_dim3A_177 = vector.broadcast %reduce_sum3A_107 : f32 to vector<1x8xf32>
        %select_n3A_178 = arith.select %eq3A_169, %broadcast_in_dim3A_177, %select_n3A_176 : vector<1x8xi1>, vector<1x8xf32>
        %broadcast_in_dim3A_179 = vector.broadcast %reduce_sum3A_99 : f32 to vector<1x8xf32>
        %select_n3A_180 = arith.select %eq3A_166, %broadcast_in_dim3A_179, %select_n3A_178 : vector<1x8xi1>, vector<1x8xf32>
        %broadcast_in_dim3A_181 = vector.broadcast %reduce_sum3A_91 : f32 to vector<1x8xf32>
        %select_n3A_182 = arith.select %eq3A_163, %broadcast_in_dim3A_181, %select_n3A_180 : vector<1x8xi1>, vector<1x8xf32>
        %broadcast_in_dim3A_183 = vector.broadcast %reduce_sum3A_83 : f32 to vector<1x8xf32>
        %select_n3A_184 = arith.select %eq3A_160, %broadcast_in_dim3A_183, %select_n3A_182 : vector<1x8xi1>, vector<1x8xf32>
        %swap3A_185 = arith.index_cast %while3A_13 : i32 to index
        %swap3A_186 = arith.constant 0 : index
        %swap3A_187 = vector.load %arg6[%swap3A_185, %swap3A_186] : memref<304x8xf32, #tpu.memory_space<vmem>>, vector<1x8xf32>
        tpu.vector_store %arg6[%swap3A_185, %swap3A_186], %select_n3A_184 {strides = array<i32>} : memref<304x8xf32, #tpu.memory_space<vmem>>, vector<1x8xf32>,
      } else {
      }
      %add3A_30 = arith.constant 1 : i32
      %add3A_31 = arith.addi %while3A_13, %add3A_30 : i32
      scf.yield %add3A_31, %ge3A_27 : i32, i1
    }
    return
  }
}

</mosaic_0001>

<sc_bundles>
// kernel: kernel.5.cloned.1.call-start
scs
__scs_entry_jumppad:
0x0: {  	(pc) =	sbr.rel $0x88, $3  }
0x1: {  	(tag) =	ssettag $0x0;
	lr =	simm.s32 $0x1  }
0x2: {  	[smem:$0x3F9C] =	sst lr;
	_ =	strace $0xD0000000  }
0x3: {  	_ = 	snop  }
0x4: {  	_ = 	snop  }
0x5: {  	_ = 	snop  }
0x6: {  	_ = 	snop  }
0x7: {  	_ = 	snop  }
__scs_overlays_trampoline_lowered:
0x8: {  	[smem:$0x3FAB] =	sst s0  }
0x9: {  	[smem:$0x3FAC] =	sst s1  }
0xa: {  	[smem:$0x3FAD] =	sst s2  }
0xb: {  	[smem:$0x3FAE] =	sst s3  }
0xc: {  	[smem:$0x3FAF] =	sst s4  }
0xd: {  	[smem:$0x3FB0] =	sst s5  }
0xe: {  	[smem:$0x3FB1] =	sst s6  }
0xf: {  	[smem:$0x3FB2] =	sst s7  }
0x10: {  	[smem:$0x3FB3] =	sst s8  }
0x11: {  	[smem:$0x3FB4] =	sst s9;
	s0 =	simm.s32 @!p0 $0x0  }
0x12: {  	s1 =	sld [smem:$0x3F9A];
	s0 =	simm.s32 @p0 $0x1  }
0x13: {  	[smem:$0x3FB5] =	sst s0;
	s0 =	simm.s32 @!p1 $0x0  }
0x14: {  	s2 =	sld [smem:$0x3F99];
	s0 =	simm.s32 @p1 $0x1  }
0x15: {  	[smem:$0x3FB6] =	sst s0;
	s0 =	simm.s32 @!p2 $0x0  }
0x16: {  	s3 =	sld [smem:$0x3FDB];
	s0 =	simm.s32 @p2 $0x1  }
0x17: {  	s4 =	simm.s32 $0x1BF5;
	[smem:$0x3FB8] =	sst s0  }
0x18: {  	s0 =	sld [smem:$0x3F9B];
	_ =	swait.ge [sflag:s4], $0x0  }
0x19: {  	s7 =	sld [smem:$0x3F9C]  }
0x1a: {  	s8 =	sadd.s32 $0xFFFFE003, lr  }
0x1b: {  	s9 =	sadd.s32 $0xFFFFFEF7, lr;
	s5 =	simm.s32 $0xFFFFFFFF;
	p2 =	slt.u32 s8, $0xFFFFF086  }
0x1c: {  	p1 =	slt.u32 s9, $0xF7A;
	s5 =	simm.s32 @!p2 $0x0  }
0x1d: {  	s5 =	simm.s32 @p1 $0x1;
	p0 =	seq.s32 s7, s2  }
0x1e: {  	s7 =	smul.u32 @!p0 $0xF7A, s2;
	p2 =	seq.s32 @!p0 s5, $0x0  }
0x1f: {  	s9 =	smul.u32 $0xF7A, s1;
	s8 =	simm.s32 @!p0 $0x1BF5;
	p2 =	por !p2, p0  }
0x20: {  	[sflag:s8] =	ssyncset.s32 @!p0 $0xFFFFF086;
	s6 =	sadd.s32 @!p0 s3, s7;
	s7 =	simm.s32 @!p0 $0x108  }
0x21: {  	s3 =	sadd.s32 s3, s9;
	s6 =	sadd.s32 @!p0 $0x88, s6;
	s7 =	simm.s32 @p2 $0x1082  }
0x22: {  	[simem:s7], [sflag:s8] =	dma.local @!p0 [hbm:s6], $0xF7A  }
0x23: {  	s9 =	sor.u32 $0xD0000000, s2;
	s6 =	simm.s32 $0x108;
	_ =	swait.ge @!p0 [sflag:s8], $0x0  }
0x24: {  	s3 =	sadd.s32 $0x88, s3;
	s6 =	simm.s32 @!p1 $0x1082;
	[sflag:s4] =	ssyncset.s32 $0xFFFFF086  }
0x25: {  	[simem:s6], [sflag:s4] =	dma.local [hbm:s3], $0xF7A  }
0x26: {  	[smem:$0x3F9C] =	sst s1;
	(tag) =	ssettag s2;
	_ =	strace s9  }
0x27: {  	s1 =	sld [smem:$0x3FAC]  }
0x28: {  	s2 =	sld [smem:$0x3FAD]  }
0x29: {  	s4 =	sld [smem:$0x3FAF]  }
0x2a: {  	p0 =	seq.s32 s5, $0x0;
	s5 =	sld [smem:$0x3FB0]  }
0x2b: {  	s6 =	sld [smem:$0x3FB1]  }
0x2c: {  	s7 =	sld [smem:$0x3FB2]  }
0x2d: {  	s3 =	simm.s32 $0x108;
	s8 =	sld [smem:$0x3FB3]  }
0x2e: {  	s3 =	simm.s32 @!p0 $0x1082;
	s9 =	sld [smem:$0x3FB4]  }
0x2f: {  	lr =	sadd.s32 s0, s3;
	s0 =	sld [smem:$0x3FAB]  }
0x30: {  	s3 =	sld [smem:$0x3FAE]  }
0x31: {  	[smem:$0x3FB7] =	sst s10  }
0x32: {  	s10 =	sld [smem:$0x3FB5];
	_ =	sdelay $0x3  }
0x33: {  	p0 =	seq.s32 s10, $0x1;
	s10 =	sld [smem:$0x3FB7];
	_ =	sdelay $0x3  }
0x34: {  	[smem:$0x3FB7] =	sst s10  }
0x35: {  	s10 =	sld [smem:$0x3FB6];
	_ =	sdelay $0x3  }
0x36: {  	p1 =	seq.s32 s10, $0x1;
	s10 =	sld [smem:$0x3FB7];
	_ =	sdelay $0x3  }
0x37: {  	[smem:$0x3FB7] =	sst s10  }
0x38: {  	s10 =	sld [smem:$0x3FB8]  }
0x39: {  	_ = 	snop;
	(pc) =	sbr.ind lr, $3  }
0x3a: {  	_ = 	snop  }
0x3b: {  	_ = 	snop  }
0x3c: {  	p2 =	seq.s32 s10, $0x1;
	s10 =	sld [smem:$0x3FB7]  }
0x3d: {  	_ =	shalt  }
0x3e: {  	_ =	shalt  }
0x3f: {  	_ =	shalt  }
0x40: {  	_ =	shalt  }
0x41: {  	_ =	shalt  }
0x42: {  	_ =	shalt  }
0x43: {  	_ =	shalt  }
0x44: {  	_ =	shalt  }
0x45: {  	_ =	shalt  }
0x46: {  	_ =	shalt  }
0x47: {  	_ =	shalt  }
0x48: {  	_ =	shalt  }
0x49: {  	_ =	shalt  }
0x4a: {  	_ =	shalt  }
0x4b: {  	_ =	shalt  }
0x4c: {  	_ =	shalt  }
0x4d: {  	_ =	shalt  }
0x4e: {  	_ =	shalt  }
0x4f: {  	_ =	shalt  }
0x50: {  	_ =	shalt  }
0x51: {  	_ =	shalt  }
0x52: {  	_ =	shalt  }
0x53: {  	_ =	shalt  }
0x54: {  	_ =	shalt  }
0x55: {  	_ =	shalt  }
0x56: {  	_ =	shalt  }
0x57: {  	_ =	shalt  }
0x58: {  	_ =	shalt  }
0x59: {  	_ =	shalt  }
0x5a: {  	_ =	shalt  }
0x5b: {  	_ =	shalt  }
0x5c: {  	_ =	shalt  }
0x5d: {  	_ =	shalt  }
0x5e: {  	_ =	shalt  }
0x5f: {  	_ =	shalt  }
0x60: {  	_ =	shalt  }
0x61: {  	_ =	shalt  }
0x62: {  	_ =	shalt  }
0x63: {  	_ =	shalt  }
0x64: {  	_ =	shalt  }
0x65: {  	_ =	shalt  }
0x66: {  	_ =	shalt  }
0x67: {  	_ =	shalt  }
0x68: {  	_ =	shalt  }
0x69: {  	_ =	shalt  }
0x6a: {  	_ =	shalt  }
0x6b: {  	_ =	shalt  }
0x6c: {  	_ =	shalt  }
0x6d: {  	_ =	shalt  }
0x6e: {  	_ =	shalt  }
0x6f: {  	_ =	shalt  }
0x70: {  	_ =	shalt  }
0x71: {  	_ =	shalt  }
0x72: {  	_ =	shalt  }
0x73: {  	_ =	shalt  }
0x74: {  	_ =	shalt  }
0x75: {  	_ =	shalt  }
0x76: {  	_ =	shalt  }
0x77: {  	_ =	shalt  }
0x78: {  	_ =	shalt  }
0x79: {  	_ =	shalt  }
0x7a: {  	_ =	shalt  }
0x7b: {  	_ =	shalt  }
0x7c: {  	_ =	shalt  }
0x7d: {  	_ =	shalt  }
0x7e: {  	_ =	shalt  }
0x7f: {  	_ =	shalt  }
0x80: {  	_ =	shalt  }
0x81: {  	_ =	shalt  }
0x82: {  	_ =	shalt  }
0x83: {  	_ =	shalt  }
0x84: {  	_ =	shalt  }
0x85: {  	_ =	shalt  }
0x86: {  	_ =	shalt  }
0x87: {  	_ =	shalt  }
.Lfunc_end0:
.L_simem_size_0:
called_computation_lowered:
.L_overlay_start_0:
0x88: {  	s2 =	sld [smem:$0x3FD9]  }
0x89: {  	s3 =	sld [smem:$0x3FFE];
	_ =	sdelay $0x1  }
0x8a: {  	s1 =	srdreg.scid  }
0x8b: {  	s0 =	sand.u32 $0x1, s1  }
0x8c: {  	s16 =	sshll.u32 s0, $0xA;
	s2 =	sadd.s32 s3, s2  }
0x8d: {  	s2 =	sadd.s32 s2, s16  }
0x8e: {  	[smem:$0x3FC3] =	sst s2  }
0x8f: {  	_ = 	snop  }
0x90: {  	(tm) =	ssettm $0x1  }
0x91: {  	s17 =	sld [smem:$0x3FFB];
	_ =	sdelay $0x3  }
0x92: {  	_ =	strace s17  }
0x93: {  	s2 =	sld [smem:$0x3FFC];
	_ =	sdelay $0x3  }
0x94: {  	_ =	strace s2  }
0x95: {  	s2 =	sld [smem:$0x3FFD];
	_ =	sdelay $0x3  }
0x96: {  	_ =	strace s2  }
0x97: {  	_ =	strace $0x8FFFFFFF  }
0x98: {  	s18 =	sld [smem:$0x3FDB];
	_ =	sdelay $0x1  }
0x99: {  	s19 =	simm.s32 $_scs_section_size  }
0x9a: {  	s4 =	simm.s32 $_size__tile_overlayer_lowered;
	s5 =	simm.s32 $_tile_overlayer_lowered  }
0x9b: {  	s22 =	simm.s32 $0x1BFF;
	s21 =	sshll.u32 s5, $0x1;
	s2 =	sadd.s32 s19, s18  }
0x9c: {  	s6 =	simm.s32 $0x0;
	s20 =	sshll.u32 s4, $0x1;
	s4 =	sadd.s32 s21, s2  }
0x9d: {  	[timem:s6], [sflag:s22] =	dma.local [hbm:s4], s20  }
0x9e: {  	_ =	swait.ge [sflag:s22], s20  }
0x9f: {  	s3 =	ssub.s32 $0x0, s20;
	[sflag:s22] =	ssyncset.done $0x0  }
0xa0: {  	[sflag:s22] =	ssyncadd.s32 s3;
	_ =	sdelay $0x1  }
0xa1: {  	s23 =	simm.s32 $0x1B8B  }
0xa2: {  	_ =	swait.ge [sflag:s23], $0x1  }
0xa3: {  	[sflag:s23] =	ssyncset.done $0x0  }
0xa4: {  	s25 =	simm.s32 $0x1B8E;
	s24 =	sld [smem:$0x3FFE];
	[sflag:s23] =	ssyncadd.s32 $0xFFFFFFFF  }
0xa5: {  	s26 =	simm.s32 $execute0_lowered;
	[smem:$0x3FD2] =	sst s25  }
0xa6: {  	s4 =	sshll.u32 s26, $0x1;
	_ =	strace $0x80000046;
	[dreg:$0x1] =	wrdreg $0xFFFFFFFF  }
0xa7: {  	s28 =	simm.s32 $_size_execute0_lowered;
	s2 =	sadd.s32 s2, s4;
	[dreg:$0x0] =	wrdreg $0x0  }
0xa8: {  	s4 =	sshll.u32 s28, $0x1;
	[dreg:$0x2] =	wrdreg s2  }
0xa9: {  	[dreg:$0x3] =	wrdreg s4  }
0xaa: {  	[dreg:$0x4] =	wrdreg $0xC0  }
0xab: {  	_ =	task [dreg:s6], $0x5FFFF  }
0xac: {  	[dreg:$0x1] =	wrdreg $0xFFFFFFFF  }
0xad: {  	[dreg:$0x0] =	wrdreg $0x60  }
0xae: {  	[dreg:$0x2] =	wrdreg s24  }
0xaf: {  	[dreg:$0x3] =	wrdreg $0x9  }
0xb0: {  	_ =	task.clear_ibuf [dreg:s6], $0x4FFFF;
	_ =	strace $0x90000046  }
0xb1: {  	s29 =	simm.s32 $0x9;
	_ =	strace $0x80000048  }
0xb2: {  	_ =	swait.ge [sflag:s29], $0x1  }
0xb3: {  	[sflag:s29] =	ssyncadd.s32 $0xFFFFFFFF  }
0xb4: {  	_ =	strace $0x90000048  }
0xb5: {  	_ =	sfence  }
0xb6: {  	s30 =	sld [smem:$0x0];
	_ =	sdelay $0x2  }
0xb7: {  	s31 =	sshll.u32 s1, $0xD;
	s1 =	sshrl.u32 s1, $0x2  }
0xb8: {  	s3 =	sand.u32 $0x4000, s31;
	s1 =	sadd.s32 s1, s30  }
0xb9: {  	s0 =	sor.u32 s3, s0;
	s1 =	sshll.u32 s1, $0x11  }
0xba: {  	s0 =	sor.u32 s1, s0  }
0xbb: {  	s0 =	sadd.s32 $0x8F2B, s0  }
0xbc: {  	[sflag:s0] =	ssyncadd.remote.s32 $0x1  }
0xbd: {  	_ =	sfence.sel $0xFFFF  }
0xbe: {  	[dreg:$0x0] =	wrdreg $0xFFFFFFFF;
	(pc) =	sbr.abs _section_cstart, $3  }
0xbf: {  	[dreg:$0x1] =	wrdreg $0xFFFFFFFF  }
0xc0: {  	_ =	task.clear_ibuf [dreg:s6], $0x2FFFF;
	_ =	strace $0x9FFFFFFF  }
0xc1: {  	(tm) =	ssettm $0x7FFFFFFF  }
tec
execute0_lowered:
.L_overlay_start_1:
0x0: {  	(tag) =	ssettag $0x1  }
0x1: {  	s1 =	srdreg.scid;
	s0 =	stileid.u32  }
0x2: {  	s22 =	sand.u32 $0x1, s1;
	s31 =	sshll.u32 s0, $0x1  }
0x3: {  	s1 =	sor.u32 s22, s31  }
0x4: {  	s3 =	smul.u32 $0x58, s1  }
0x5: {  	s20 =	rddreg [dreg:$0x0];
	s2 =	simm.s32 $0x0  }
0x6: {  	s4 =	simm.s32 $0x2;
	[smem:$0x7FF] =	sst s2;
	s13 =	sadd.s32 s3, s20  }
0x7: {  	s1 =	rddreg [dreg:$0x1];
	_ =	strace $0x80000047;
	s3 =	sadd.s32 $0xC00, s13  }
0x8: {  	[tilespmem:s2], [sflag:$0x2] =	stream.linear.gather [hbm4b:s3+s2], $0x2C0, $0x38;
	[tilespmem:$0x1200] =	vst v63  }
0x9: {  	_ =	swait.ge [sflag:s4], $0x2C0  }
0xa: {  	[sflag:s4] =	ssyncset.done $0x0  }
0xb: {  	s6 =	simm.s32 $0x300;
	s5 =	sadd.s32 $0x1800, s13;
	[sflag:s4] =	ssyncadd.s32 $0xFFFFFD40  }
0xc: {  	[tilespmem:s6], [sflag:$0x2] =	stream.linear.gather [hbm4b:s5+s2], $0x2C0, $0x38;
	[tilespmem:$0x1200] =	vst v63  }
0xd: {  	_ =	swait.ge [sflag:s4], $0x2C0  }
0xe: {  	[sflag:s4] =	ssyncset.done $0x0  }
0xf: {  	s8 =	simm.s32 $0x600;
	s7 =	sadd.s32 $0x2400, s13;
	[sflag:s4] =	ssyncadd.s32 $0xFFFFFD40  }
0x10: {  	[tilespmem:s8], [sflag:$0x2] =	stream.linear.gather [hbm4b:s7+s2], $0x2C0, $0x38;
	[tilespmem:$0x1200] =	vst v63  }
0x11: {  	_ =	swait.ge [sflag:s4], $0x2C0  }
0x12: {  	[sflag:s4] =	ssyncset.done $0x0  }
0x13: {  	s10 =	simm.s32 $0x900;
	s9 =	sadd.s32 $0x3000, s13;
	[sflag:s4] =	ssyncadd.s32 $0xFFFFFD40  }
0x14: {  	[tilespmem:s10], [sflag:$0x2] =	stream.linear.gather [hbm4b:s9+s2], $0x2C0, $0x38;
	[tilespmem:$0x1200] =	vst v63  }
0x15: {  	_ =	swait.ge [sflag:s4], $0x2C0  }
0x16: {  	[sflag:s4] =	ssyncset.done $0x0  }
0x17: {  	s12 =	simm.s32 $0xC00;
	s11 =	sadd.s32 $0x3C00, s13;
	[sflag:s4] =	ssyncadd.s32 $0xFFFFFD40  }
0x18: {  	[tilespmem:s12], [sflag:$0x2] =	stream.linear.gather [hbm4b:s11+s2], $0x2C0, $0x38;
	[tilespmem:$0x1200] =	vst v63  }
0x19: {  	_ =	swait.ge [sflag:s4], $0x2C0  }
0x1a: {  	[sflag:s4] =	ssyncset.done $0x0  }
0x1b: {  	s14 =	simm.s32 $0xF00;
	s13 =	sadd.s32 $0x4800, s13;
	[sflag:s4] =	ssyncadd.s32 $0xFFFFFD40  }
0x1c: {  	[tilespmem:s14], [sflag:$0x2] =	stream.linear.gather [hbm4b:s13+s2], $0x2C0, $0x38;
	[tilespmem:$0x1200] =	vst v63  }
0x1d: {  	_ =	swait.ge [sflag:s4], $0x2C0  }
0x1e: {  	[sflag:s4] =	ssyncset.done $0x0  }
0x1f: {  	s16 =	simm.s32 $0x2C0;
	s15 =	sadd.s32 $0x8C00, s20;
	[sflag:s4] =	ssyncadd.s32 $0xFFFFFD40  }
0x20: {  	[hbm4b:s15+s16] =	stream.indirect.scatter [tilespmem:s6], [sflag:$0x1], $0x1, s2, s16, $0xb8;
	[tilespmem:$0x1200] =	vst v63  }
0x21: {  	s17 =	sadd.s32 $0x7E00, s20  }
0x22: {  	[hbm4b:s17+s16] =	stream.indirect.scatter [tilespmem:s8], [sflag:$0x1], $0x1, s2, s16, $0xb8;
	[tilespmem:$0x1200] =	vst v63  }
0x23: {  	s18 =	sadd.s32 $0x7000, s20  }
0x24: {  	[hbm4b:s18+s16] =	stream.indirect.scatter [tilespmem:s10], [sflag:$0x1], $0x1, s2, s16, $0xb8;
	[tilespmem:$0x1200] =	vst v63  }
0x25: {  	s19 =	sadd.s32 $0x6200, s20  }
0x26: {  	[hbm4b:s19+s16] =	stream.indirect.scatter [tilespmem:s12], [sflag:$0x1], $0x1, s2, s16, $0xb8;
	[tilespmem:$0x1200] =	vst v63  }
0x27: {  	s21 =	sadd.s32 $0x5400, s20;
	s20 =	simm.s32 $0x1  }
0x28: {  	[hbm4b:s21+s16] =	stream.indirect.scatter [tilespmem:s14], [sflag:$0x1], $0x1, s2, s16, $0xb8;
	[tilespmem:$0x1200] =	vst v63  }
0x29: {  	_ =	swait.ge [sflag:s20], $0x2C0  }
0x2a: {  	[sflag:s20] =	ssyncset.done $0x0  }
0x2b: {  	[sflag:s20] =	ssyncadd.s32 $0xFFFFFD40  }
0x2c: {  	_ =	swait.ge [sflag:s20], $0x2C0  }
0x2d: {  	s22 =	ssub.s32 $0x2, s22;
	[sflag:s20] =	ssyncset.done $0x0  }
0x2e: {  	s23 =	sshrl.u32 s22, $0x1;
	[sflag:s20] =	ssyncadd.s32 $0xFFFFFD40  }
0x2f: {  	s22 =	ssub.s32 s22, s23;
	_ =	swait.ge [sflag:s20], $0x2C0  }
0x30: {  	s22 =	smax.u32 s22, $0x1;
	[sflag:s20] =	ssyncset.done $0x0  }
0x31: {  	p0 =	sne.s32 s22, $0x1;
	[sflag:s20] =	ssyncadd.s32 $0xFFFFFD40  }
.Ltmp0:
0x32: {  	_ =	swait.ge [sflag:s20], $0x2C0;
	(pc) =	sbr.rel @!p0 .LBB2_2-.Ltmp0, $4  }
0x33: {  	[sflag:s20] =	ssyncset.done $0x0  }
0x34: {  	[sflag:s20] =	ssyncadd.s32 $0xFFFFFD40  }
0x35: {  	_ =	swait.ge [sflag:s20], $0x2C0  }
0x36: {  	s22 =	sadd.s32 $0xFFFFFFFF, s22;
	[sflag:s20] =	ssyncset.done $0x0  }
.LBB2_1:
0x37: {  	p0 =	sne.s32 s22, $0x1;
	s22 =	sadd.s32 $0xFFFFFFFF, s22;
	[sflag:s20] =	ssyncadd.s32 $0xFFFFFD40  }
0x38: {  	[tilespmem:s2], [sflag:$0x2] =	stream.linear.gather [hbm4b:s3+s2], $0x2C0, $0x38;
	[tilespmem:$0x1200] =	vst v63  }
0x39: {  	_ =	swait.ge [sflag:s4], $0x2C0  }
0x3a: {  	[sflag:s4] =	ssyncset.done $0x0  }
0x3b: {  	[sflag:s4] =	ssyncadd.s32 $0xFFFFFD40  }
0x3c: {  	[tilespmem:s6], [sflag:$0x2] =	stream.linear.gather [hbm4b:s5+s2], $0x2C0, $0x38;
	[tilespmem:$0x1200] =	vst v63  }
0x3d: {  	_ =	swait.ge [sflag:s4], $0x2C0  }
0x3e: {  	[sflag:s4] =	ssyncset.done $0x0  }
0x3f: {  	[sflag:s4] =	ssyncadd.s32 $0xFFFFFD40  }
0x40: {  	[tilespmem:s8], [sflag:$0x2] =	stream.linear.gather [hbm4b:s7+s2], $0x2C0, $0x38;
	[tilespmem:$0x1200] =	vst v63  }
0x41: {  	_ =	swait.ge [sflag:s4], $0x2C0  }
0x42: {  	[sflag:s4] =	ssyncset.done $0x0  }
0x43: {  	[sflag:s4] =	ssyncadd.s32 $0xFFFFFD40  }
0x44: {  	[tilespmem:s10], [sflag:$0x2] =	stream.linear.gather [hbm4b:s9+s2], $0x2C0, $0x38;
	[tilespmem:$0x1200] =	vst v63  }
0x45: {  	_ =	swait.ge [sflag:s4], $0x2C0  }
0x46: {  	[sflag:s4] =	ssyncset.done $0x0  }
0x47: {  	[sflag:s4] =	ssyncadd.s32 $0xFFFFFD40  }
0x48: {  	[tilespmem:s12], [sflag:$0x2] =	stream.linear.gather [hbm4b:s11+s2], $0x2C0, $0x38;
	[tilespmem:$0x1200] =	vst v63  }
0x49: {  	_ =	swait.ge [sflag:s4], $0x2C0  }
0x4a: {  	[sflag:s4] =	ssyncset.done $0x0  }
0x4b: {  	[sflag:s4] =	ssyncadd.s32 $0xFFFFFD40  }
0x4c: {  	[tilespmem:s14], [sflag:$0x2] =	stream.linear.gather [hbm4b:s13+s2], $0x2C0, $0x38;
	[tilespmem:$0x1200] =	vst v63  }
0x4d: {  	_ =	swait.ge [sflag:s4], $0x2C0  }
0x4e: {  	[sflag:s4] =	ssyncset.done $0x0  }
0x4f: {  	[sflag:s4] =	ssyncadd.s32 $0xFFFFFD40  }
0x50: {  	[hbm4b:s15+s16] =	stream.indirect.scatter [tilespmem:s6], [sflag:$0x1], $0x1, s2, s16, $0xb8;
	[tilespmem:$0x1200] =	vst v63  }
0x51: {  	_ = 	snop  }
0x52: {  	[hbm4b:s17+s16] =	stream.indirect.scatter [tilespmem:s8], [sflag:$0x1], $0x1, s2, s16, $0xb8;
	[tilespmem:$0x1200] =	vst v63  }
0x53: {  	_ = 	snop  }
0x54: {  	[hbm4b:s18+s16] =	stream.indirect.scatter [tilespmem:s10], [sflag:$0x1], $0x1, s2, s16, $0xb8;
	[tilespmem:$0x1200] =	vst v63  }
0x55: {  	_ = 	snop  }
0x56: {  	[hbm4b:s19+s16] =	stream.indirect.scatter [tilespmem:s12], [sflag:$0x1], $0x1, s2, s16, $0xb8;
	[tilespmem:$0x1200] =	vst v63  }
0x57: {  	_ = 	snop  }
0x58: {  	[hbm4b:s21+s16] =	stream.indirect.scatter [tilespmem:s14], [sflag:$0x1], $0x1, s2, s16, $0xb8;
	[tilespmem:$0x1200] =	vst v63  }
0x59: {  	_ =	swait.ge [sflag:s20], $0x2C0  }
0x5a: {  	[sflag:s20] =	ssyncset.done $0x0  }
0x5b: {  	[sflag:s20] =	ssyncadd.s32 $0xFFFFFD40  }
0x5c: {  	_ =	swait.ge [sflag:s20], $0x2C0  }
0x5d: {  	[sflag:s20] =	ssyncset.done $0x0  }
0x5e: {  	[sflag:s20] =	ssyncadd.s32 $0xFFFFFD40  }
0x5f: {  	_ =	swait.ge [sflag:s20], $0x2C0  }
0x60: {  	[sflag:s20] =	ssyncset.done $0x0  }
0x61: {  	[sflag:s20] =	ssyncadd.s32 $0xFFFFFD40  }
.Ltmp1:
0x62: {  	_ =	swait.ge [sflag:s20], $0x2C0;
	(pc) =	sbr.rel @p0 .LBB2_1-.Ltmp1, $4  }
0x63: {  	[sflag:s20] =	ssyncset.done $0x0  }
0x64: {  	[sflag:s20] =	ssyncadd.s32 $0xFFFFFD40  }
0x65: {  	_ =	swait.ge [sflag:s20], $0x2C0  }
0x66: {  	[sflag:s20] =	ssyncset.done $0x0  }
.LBB2_2:
0x67: {  	[sflag:s20] =	ssyncadd.s32 $0xFFFFFD40  }
0x68: {  	_ =	sfence.sel $0x180000  }
0x69: {  	[bflag:$0x0] =	sbarrier.arrive $0xFFFF  }
0x6a: {  	p0 =	sne.s32 s0, $0x0;
	_ =	strace $0x90000047  }
0x6b: {  	s0 =	sadd.s32 @!p0 $0x100000, s1;
	[bflag:$0x2] =	sbarrier.arrive $0xFFFF  }
0x6c: {  	[sflag:s0] =	ssyncadd.tile.s32 @!p0 $0x1;
	_ =	shalt  }
.Lfunc_end2:
_tile_overlayer_lowered:
.L_overlay_start_2:
0x6d: {  	(tag) =	ssettag $0x2  }
0x6e: {  	s0 =	rddreg [dreg:$0x0];
	s2 =	stileid.u32  }
0x6f: {  	s1 =	rddreg [dreg:$0x1];
	p0 =	sne.s32 s2, $0x0  }
0x70: {  	s3 =	rddreg [dreg:$0x2];
	[bflag:$0x3] =	sbarrier.arrive $0xFFFF;
	s2 =	simm.s32 @!p0 $0x1C02  }
0x71: {  	[timem:s3], [sflag:s2] =	dma.local @!p0 [hbm:s0], s1  }
0x72: {  	s0 =	simm.s32 @!p0 $0x2  }
0x73: {  	_ =	swait.ge @!p0 [sflag:s0], s1  }
0x74: {  	s1 =	ssub.s32 @!p0 $0x0, s1;
	[sflag:s0] =	ssyncset.done @!p0 $0x0  }
0x75: {  	[sflag:s0] =	ssyncadd.s32 @!p0 s1  }
0x76: {  	[bflag:$0x3] =	sbarrier.arrive $0xFFFF  }
0x77: {  	_ =	shalt  }

</sc_bundles>
